<compile_context>
chip_gen: v7x
topology: tpu7x:2x2x1
jax: 0.10.2.dev20260603
libtpu: 0.0.44.dev20260713+nightly
codegen_flags: <defaults>
</compile_context>

<pallas_src>
import functools

import jax
import jax.numpy as jnp
from jax import lax
from jax.experimental import pallas as pl
from jax.experimental.pallas import tpu as pltpu
from jax.experimental.pallas import tpu_sc as plsc

N = 10000
E = 320000
D = 128
DG = D // 16

NC = 2
NS = 16
NW = NC * NS
EPW = E // NW
CHUNK = 96
NFULL = EPW // CHUNK
TAIL = EPW - NFULL * CHUNK

RPT = 632


def _fuse_add(ef, rows, nrows):
    def row_body(r, carry):
        for g in range(DG):
            sl = pl.ds(g * 16, 16)
            plsc.addupdate(ef.at[r, sl], rows[r, sl])
        return carry
    lax.fori_loop(0, nrows, row_body, 0)


def _copy_idx_regs(src_ref, dst_ref):
    for g in range(CHUNK // 16):
        sl = pl.ds(g * 16, 16)
        dst_ref[sl] = src_ref[sl]


def _sc_body(node_hbm, src_hbm, dst_hbm, ef_hbm, out_hbm,
             src0, src1, dst0, dst1, dsc0, dsc1,
             rows0, rows1, ef0, ef1,
             src_t, dst_t,
             accum,
             sem_i0, sem_i1, sem_g0, sem_g1, sem_e0, sem_e1, sem_s0, sem_s1):
    src_v = (src0, src1)
    dst_v = (dst0, dst1)
    dsc_v = (dsc0, dsc1)
    rows_v = (rows0, rows1)
    ef_v = (ef0, ef1)
    sem_i = (sem_i0, sem_i1)
    sem_g = (sem_g0, sem_g1)
    sem_e = (sem_e0, sem_e1)
    sem_s = (sem_s0, sem_s1)

    c = lax.axis_index("c")
    s = lax.axis_index("s")
    w = c * NS + s
    row0 = pl.multiple_of(jnp.minimum(s * RPT, N - RPT), 8)

    pltpu.sync_copy(node_hbm.at[pl.ds(row0, RPT)], accum.at[pl.ds(row0, RPT)])
    plsc.subcore_barrier()

    base = w * EPW

    def coff(i):
        return pl.multiple_of(base + i * CHUNK, 8)

    def issue_loads(i, b):
        pltpu.async_copy(node_hbm.at[src_v[b]], rows_v[b], sem_g[b])
        pltpu.async_copy(ef_hbm.at[pl.ds(coff(i), CHUNK)], ef_v[b], sem_e[b])

    def drain_loads(i, b):
        pltpu.make_async_copy(node_hbm.at[src_v[b]], rows_v[b], sem_g[b]).wait()
        pltpu.make_async_copy(ef_hbm.at[pl.ds(coff(i), CHUNK)], ef_v[b], sem_e[b]).wait()

    def issue_idx(i, b):
        pltpu.async_copy(src_hbm.at[pl.ds(coff(i), CHUNK)], src_v[b], sem_i[b])
        pltpu.async_copy(dst_hbm.at[pl.ds(coff(i), CHUNK)], dst_v[b], sem_i[b])

    def drain_idx(i, b):
        pltpu.make_async_copy(src_hbm.at[pl.ds(coff(i), CHUNK)], src_v[b], sem_i[b]).wait()
        pltpu.make_async_copy(dst_hbm.at[pl.ds(coff(i), CHUNK)], dst_v[b], sem_i[b]).wait()

    def fuse_and_scatter(b):
        _fuse_add(ef_v[b], rows_v[b], CHUNK)
        _copy_idx_regs(dst_v[b], dsc_v[b])
        pltpu.async_copy(ef_v[b], accum.at[dsc_v[b]], sem_s[b], add=True)

    def drain_scatter(b):
        pltpu.make_async_copy(ef_v[b], accum.at[dsc_v[b]], sem_s[b]).wait()

    pltpu.sync_copy(src_hbm.at[pl.ds(coff(0), CHUNK)], src_v[0])
    pltpu.sync_copy(dst_hbm.at[pl.ds(coff(0), CHUNK)], dst_v[0])
    issue_loads(0, 0)
    issue_idx(1, 1)

    def pair_body(j, carry):
        i0 = 1 + 2 * j

        @pl.when(j > 0)
        def _():
            drain_scatter(1)
        drain_idx(i0, 1)
        issue_loads(i0, 1)
        drain_loads(i0 - 1, 0)
        fuse_and_scatter(0)
        issue_idx(i0 + 1, 0)

        i1 = i0 + 1
        drain_scatter(0)
        drain_idx(i1, 0)
        issue_loads(i1, 0)
        drain_loads(i1 - 1, 1)
        fuse_and_scatter(1)
        issue_idx(i1 + 1, 1)
        return carry

    lax.fori_loop(0, (NFULL - 2) // 2, pair_body, 0)

    drain_scatter(1)
    drain_idx(NFULL - 1, 1)
    issue_loads(NFULL - 1, 1)
    drain_loads(NFULL - 2, 0)
    fuse_and_scatter(0)

    drain_loads(NFULL - 1, 1)
    fuse_and_scatter(1)

    drain_scatter(0)
    toff = pl.multiple_of(base + NFULL * CHUNK, 8)
    pltpu.sync_copy(src_hbm.at[pl.ds(toff, TAIL)], src_t)
    pltpu.sync_copy(dst_hbm.at[pl.ds(toff, TAIL)], dst_t)
    pltpu.async_copy(node_hbm.at[src_t], rows_v[0].at[pl.ds(0, TAIL)], sem_g[0])
    pltpu.async_copy(ef_hbm.at[pl.ds(toff, TAIL)], ef_v[0].at[pl.ds(0, TAIL)], sem_e[0])
    pltpu.make_async_copy(node_hbm.at[src_t], rows_v[0].at[pl.ds(0, TAIL)], sem_g[0]).wait()
    pltpu.make_async_copy(ef_hbm.at[pl.ds(toff, TAIL)], ef_v[0].at[pl.ds(0, TAIL)], sem_e[0]).wait()
    _fuse_add(ef_v[0], rows_v[0], TAIL)
    pltpu.sync_copy(ef_v[0].at[pl.ds(0, TAIL)], accum.at[dst_t], add=True)

    drain_scatter(1)

    plsc.subcore_barrier()
    pltpu.sync_copy(accum.at[pl.ds(row0, RPT)], out_hbm.at[c, pl.ds(row0, RPT)])


def _sc_partials(node_feat, src, dst, edge_feat):
    mesh = plsc.VectorSubcoreMesh(core_axis_name="c", subcore_axis_name="s",
                                  num_cores=NC, num_subcores=NS)
    return pl.kernel(
        _sc_body,
        out_type=jax.ShapeDtypeStruct((NC, N, D), jnp.float32),
        mesh=mesh,
        scratch_types=[
            pltpu.VMEM((CHUNK,), jnp.int32),
            pltpu.VMEM((CHUNK,), jnp.int32),
            pltpu.VMEM((CHUNK,), jnp.int32),
            pltpu.VMEM((CHUNK,), jnp.int32),
            pltpu.VMEM((CHUNK,), jnp.int32),
            pltpu.VMEM((CHUNK,), jnp.int32),
            pltpu.VMEM((CHUNK, D), jnp.float32),
            pltpu.VMEM((CHUNK, D), jnp.float32),
            pltpu.VMEM((CHUNK, D), jnp.float32),
            pltpu.VMEM((CHUNK, D), jnp.float32),
            pltpu.VMEM((TAIL,), jnp.int32),
            pltpu.VMEM((TAIL,), jnp.int32),
            pltpu.VMEM_SHARED((N, D), jnp.float32),
            pltpu.SemaphoreType.DMA,
            pltpu.SemaphoreType.DMA,
            pltpu.SemaphoreType.DMA,
            pltpu.SemaphoreType.DMA,
            pltpu.SemaphoreType.DMA,
            pltpu.SemaphoreType.DMA,
            pltpu.SemaphoreType.DMA,
            pltpu.SemaphoreType.DMA,
        ],
    )(node_feat, src, dst, edge_feat)


BR = 2000


def _mlp_body(p_ref, w1_ref, b1_ref, w2_ref, b2_ref, o_ref):
    h = p_ref[0] + p_ref[1]
    h1 = jnp.dot(h, w1_ref[...], preferred_element_type=jnp.float32) + b1_ref[...]
    h1 = jnp.where(h1 >= 0, h1, 0.01 * h1)
    o_ref[...] = jnp.dot(h1, w2_ref[...], preferred_element_type=jnp.float32) + b2_ref[...]


def _mlp(partials, W1, b1, W2, b2):
    grid = (N // BR,)
    return pl.pallas_call(
        _mlp_body,
        grid=grid,
        in_specs=[
            pl.BlockSpec((NC, BR, D), lambda i: (0, i, 0)),
            pl.BlockSpec((D, D), lambda i: (0, 0)),
            pl.BlockSpec((1, D), lambda i: (0, 0)),
            pl.BlockSpec((D, D), lambda i: (0, 0)),
            pl.BlockSpec((1, D), lambda i: (0, 0)),
        ],
        out_specs=pl.BlockSpec((BR, D), lambda i: (i, 0)),
        out_shape=jax.ShapeDtypeStruct((N, D), jnp.float32),
    )(partials, W1, b1.reshape(1, D), W2, b2.reshape(1, D))


@jax.jit
def kernel(node_feat, edge_index, edge_feat, W1, b1, W2, b2):
    ei = edge_index.astype(jnp.int32)
    partials = _sc_partials(node_feat, ei[0], ei[1], edge_feat)
    return _mlp(partials, W1, b1, W2, b2)

# --- scband reference (transcript-rebuilt; emitter-appended) ---
"""Pipeline reference for scband-ginelayer-20005957664841 (READ-ONLY COPY).

The authoritative reference and input builder live on the scoring server;
editing this copy changes nothing except your own understanding.
"""

import jax, jax.numpy as jnp
import numpy as np

N = 10000
E = 320000
D = 128


def setup_inputs(seed: int = 0) -> dict:
    key = jax.random.key(seed)
    k1, k2, k3, k4, k5, k6, k7 = jax.random.split(key, 7)
    node_feat = jax.random.normal(k1, (N, D), dtype=jnp.float32)
    edge_index = jax.random.randint(k2, (2, E), 0, N, dtype=jnp.int64)
    edge_feat = jax.random.normal(k3, (E, D), dtype=jnp.float32)
    # mlp: Linear(D, D) -> LeakyReLU(0.01) -> Linear(D, D)
    bound = 1.0 / np.sqrt(D)
    W1 = jax.random.uniform(k4, (D, D), dtype=jnp.float32, minval=-bound, maxval=bound)
    b1 = jax.random.uniform(k5, (D,), dtype=jnp.float32, minval=-bound, maxval=bound)
    W2 = jax.random.uniform(k6, (D, D), dtype=jnp.float32, minval=-bound, maxval=bound)
    b2 = jax.random.uniform(k7, (D,), dtype=jnp.float32, minval=-bound, maxval=bound)
    return {"node_feat": node_feat, "edge_index": edge_index, "edge_feat": edge_feat,
            "W1": W1, "b1": b1, "W2": W2, "b2": b2}


def reference(node_feat, edge_index, edge_feat, W1, b1, W2, b2):
    src = edge_index[0]
    dst = edge_index[1]
    # message: m = h[src] + e  (gather over src nodes)
    m = jnp.take(node_feat, src, axis=0) + edge_feat
    # fn.sum('m', 'neigh'): scatter-add into dst nodes
    neigh = jax.ops.segment_sum(m, dst, num_segments=node_feat.shape[0])
    h = (1.0 + 1.0) * node_feat + neigh
    # mlp: Linear -> LeakyReLU(0.01) -> Linear
    h1 = h @ W1 + b1
    h1 = jnp.where(h1 >= 0, h1, 0.01 * h1)
    out = h1 @ W2 + b2
    return out

if __name__ == "__main__":
    import jax
    _d = setup_inputs()
    print(jax.jit(kernel)(*tuple(_d.values())))

</pallas_src>

<mosaic_0001>
#map = affine_map<(d0, d1) -> (0, 0)>
#map1 = affine_map<(d0, d1) -> (0)>
#map2 = affine_map<(d0, d1) -> (0, 0, 0)>
module attributes {stable_mosaic.version = 14 : i64} {
  func.func @_sc_body(%arg0: i32, %arg1: i32, %arg2: memref<10000x128xf32, #tpu.memory_space<hbm>>, %arg3: memref<320000xi32, #tpu.memory_space<hbm>>, %arg4: memref<320000xi32, #tpu.memory_space<hbm>>, %arg5: memref<320000x128xf32, #tpu.memory_space<hbm>>, %arg6: memref<2x10000x128xf32, #tpu.memory_space<hbm>>, %arg7: memref<96xi32, #tpu.memory_space<vmem>>, %arg8: memref<96xi32, #tpu.memory_space<vmem>>, %arg9: memref<96xi32, #tpu.memory_space<vmem>>, %arg10: memref<96xi32, #tpu.memory_space<vmem>>, %arg11: memref<96xi32, #tpu.memory_space<vmem>>, %arg12: memref<96xi32, #tpu.memory_space<vmem>>, %arg13: memref<96x128xf32, #tpu.memory_space<vmem>>, %arg14: memref<96x128xf32, #tpu.memory_space<vmem>>, %arg15: memref<96x128xf32, #tpu.memory_space<vmem>>, %arg16: memref<96x128xf32, #tpu.memory_space<vmem>>, %arg17: memref<16xi32, #tpu.memory_space<vmem>>, %arg18: memref<16xi32, #tpu.memory_space<vmem>>, %arg19: memref<10000x128xf32, #tpu.memory_space<vmem_shared>>, %arg20: memref<!tpu.dma_semaphore, #tpu.memory_space<semaphore_mem>>, %arg21: memref<!tpu.dma_semaphore, #tpu.memory_space<semaphore_mem>>, %arg22: memref<!tpu.dma_semaphore, #tpu.memory_space<semaphore_mem>>, %arg23: memref<!tpu.dma_semaphore, #tpu.memory_space<semaphore_mem>>, %arg24: memref<!tpu.dma_semaphore, #tpu.memory_space<semaphore_mem>>, %arg25: memref<!tpu.dma_semaphore, #tpu.memory_space<semaphore_mem>>, %arg26: memref<!tpu.dma_semaphore, #tpu.memory_space<semaphore_mem>>, %arg27: memref<!tpu.dma_semaphore, #tpu.memory_space<semaphore_mem>>) attributes {dimension_semantics = [#tpu.dimension_semantics<core_parallel>, #tpu.dimension_semantics<subcore_parallel>], iteration_bounds = array<i64: 2, 16>, scalar_prefetch = 0 : i64, scratch_operands = 21 : i64, tpu.core_type = #tpu.core_type<sc_vector_subcore>, window_params = [{transform_indices = #map}, {transform_indices = #map1}, {transform_indices = #map1}, {transform_indices = #map}, {transform_indices = #map2}]} {
    %mul3A = arith.constant 16 : i32
    %mul3A_0 = arith.muli %arg0, %mul3A : i32
    %add3A = arith.addi %mul3A_0, %arg1 : i32
    %mul3A_1 = arith.constant 632 : i32
    %mul3A_2 = arith.muli %arg1, %mul3A_1 : i32
    %min3A = arith.constant 9368 : i32
    %min3A_3 = arith.minsi %mul3A_2, %min3A : i32
    %multiple_of3A = tpu.assume_multiple %min3A_3, 8 : i32
    "tpu.region"() ({
      %run_scoped3A = tpu.sem_alloc : memref<!tpu.dma_semaphore, #tpu.memory_space<semaphore_mem>>
      %dma_start3A_226 = arith.constant 0 : i32
      %dma_start3A_227 = tpu.memref_slice %arg19[%multiple_of3A, %dma_start3A_226] : memref<10000x128xf32, #tpu.memory_space<vmem_shared>> -> memref<632x128xf32, #tpu.memory_space<vmem_shared>>
      %dma_start3A_228 = arith.constant 0 : i32
      %dma_start3A_229 = tpu.memref_slice %arg2[%multiple_of3A, %dma_start3A_228] : memref<10000x128xf32, #tpu.memory_space<hbm>> -> memref<632x128xf32, #tpu.memory_space<hbm>>
      tpu.enqueue_dma source(%dma_start3A_229 : memref<632x128xf32, #tpu.memory_space<hbm>>) target(%dma_start3A_227 : memref<632x128xf32, #tpu.memory_space<vmem_shared>>) target_semaphore(%run_scoped3A : memref<!tpu.dma_semaphore, #tpu.memory_space<semaphore_mem>>)
      %dma_wait3A_230 = arith.constant 0 : i32
      %dma_wait3A_231 = tpu.memref_slice %arg19[%multiple_of3A, %dma_wait3A_230] : memref<10000x128xf32, #tpu.memory_space<vmem_shared>> -> memref<632x128xf32, #tpu.memory_space<vmem_shared>>
      %dma_wait3A_232 = arith.constant 0 : i32
      %dma_wait3A_233 = tpu.memref_slice %arg2[%multiple_of3A, %dma_wait3A_232] : memref<10000x128xf32, #tpu.memory_space<hbm>> -> memref<632x128xf32, #tpu.memory_space<hbm>>
      tpu.wait_dma2 semaphore(%run_scoped3A : memref<!tpu.dma_semaphore, #tpu.memory_space<semaphore_mem>>) src(%dma_wait3A_233 : memref<632x128xf32, #tpu.memory_space<hbm>>) dst(%dma_wait3A_231 : memref<632x128xf32, #tpu.memory_space<vmem_shared>>)
      tpu.yield
    }) : () -> ()
    %barrier3A = arith.constant 0 : index
    tpu.barrier barrier_id(%barrier3A)
    %mul3A_4 = arith.constant 10000 : i32
    %mul3A_5 = arith.muli %add3A, %mul3A_4 : i32
    %add3A_6 = arith.constant 0 : i32
    %add3A_7 = arith.addi %mul3A_5, %add3A_6 : i32
    %multiple_of3A_8 = tpu.assume_multiple %add3A_7, 8 : i32
    "tpu.region"() ({
      %run_scoped3A = tpu.sem_alloc : memref<!tpu.dma_semaphore, #tpu.memory_space<semaphore_mem>>
      %dma_start3A_226 = tpu.memref_slice %arg3[%multiple_of3A_8] : memref<320000xi32, #tpu.memory_space<hbm>> -> memref<96xi32, #tpu.memory_space<hbm>>
      %dma_start3A_227 = tpu.memref_slice %arg3[%multiple_of3A_8] : memref<320000xi32, #tpu.memory_space<hbm>> -> memref<96xi32, #tpu.memory_space<hbm>>
      tpu.enqueue_dma source(%dma_start3A_227 : memref<96xi32, #tpu.memory_space<hbm>>) target(%arg7 : memref<96xi32, #tpu.memory_space<vmem>>) target_semaphore(%run_scoped3A : memref<!tpu.dma_semaphore, #tpu.memory_space<semaphore_mem>>)
      %dma_wait3A_228 = tpu.memref_slice %arg3[%multiple_of3A_8] : memref<320000xi32, #tpu.memory_space<hbm>> -> memref<96xi32, #tpu.memory_space<hbm>>
      %dma_wait3A_229 = tpu.memref_slice %arg3[%multiple_of3A_8] : memref<320000xi32, #tpu.memory_space<hbm>> -> memref<96xi32, #tpu.memory_space<hbm>>
      tpu.wait_dma2 semaphore(%run_scoped3A : memref<!tpu.dma_semaphore, #tpu.memory_space<semaphore_mem>>) src(%dma_wait3A_229 : memref<96xi32, #tpu.memory_space<hbm>>) dst(%arg7 : memref<96xi32, #tpu.memory_space<vmem>>)
      tpu.yield
    }) : () -> ()
    %add3A_9 = arith.constant 0 : i32
    %add3A_10 = arith.addi %mul3A_5, %add3A_9 : i32
    %multiple_of3A_11 = tpu.assume_multiple %add3A_10, 8 : i32
    "tpu.region"() ({
      %run_scoped3A = tpu.sem_alloc : memref<!tpu.dma_semaphore, #tpu.memory_space<semaphore_mem>>
      %dma_start3A_226 = tpu.memref_slice %arg4[%multiple_of3A_11] : memref<320000xi32, #tpu.memory_space<hbm>> -> memref<96xi32, #tpu.memory_space<hbm>>
      %dma_start3A_227 = tpu.memref_slice %arg4[%multiple_of3A_11] : memref<320000xi32, #tpu.memory_space<hbm>> -> memref<96xi32, #tpu.memory_space<hbm>>
      tpu.enqueue_dma source(%dma_start3A_227 : memref<96xi32, #tpu.memory_space<hbm>>) target(%arg9 : memref<96xi32, #tpu.memory_space<vmem>>) target_semaphore(%run_scoped3A : memref<!tpu.dma_semaphore, #tpu.memory_space<semaphore_mem>>)
      %dma_wait3A_228 = tpu.memref_slice %arg4[%multiple_of3A_11] : memref<320000xi32, #tpu.memory_space<hbm>> -> memref<96xi32, #tpu.memory_space<hbm>>
      %dma_wait3A_229 = tpu.memref_slice %arg4[%multiple_of3A_11] : memref<320000xi32, #tpu.memory_space<hbm>> -> memref<96xi32, #tpu.memory_space<hbm>>
      tpu.wait_dma2 semaphore(%run_scoped3A : memref<!tpu.dma_semaphore, #tpu.memory_space<semaphore_mem>>) src(%dma_wait3A_229 : memref<96xi32, #tpu.memory_space<hbm>>) dst(%arg9 : memref<96xi32, #tpu.memory_space<vmem>>)
      tpu.yield
    }) : () -> ()
    %dma_start3A = arith.constant 0 : i32
    %dma_start3A_12 = arith.constant 0 : i32
    %dma_start3A_13 = tpu.memref_slice %arg2[%dma_start3A, %dma_start3A_12] : memref<10000x128xf32, #tpu.memory_space<hbm>> -> memref<10000x128xf32, #tpu.memory_space<hbm>>
    tpu.enqueue_indirect_dma source(%dma_start3A_13 : memref<10000x128xf32, #tpu.memory_space<hbm>>) target(%arg13 : memref<96x128xf32, #tpu.memory_space<vmem>>) offsets(%arg7 : memref<96xi32, #tpu.memory_space<vmem>>) semaphore(%arg22 : memref<!tpu.dma_semaphore, #tpu.memory_space<semaphore_mem>>)
    %add3A_14 = arith.constant 0 : i32
    %add3A_15 = arith.addi %mul3A_5, %add3A_14 : i32
    %multiple_of3A_16 = tpu.assume_multiple %add3A_15, 8 : i32
    %dma_start3A_17 = arith.constant 0 : i32
    %dma_start3A_18 = tpu.memref_slice %arg5[%multiple_of3A_16, %dma_start3A_17] : memref<320000x128xf32, #tpu.memory_space<hbm>> -> memref<96x128xf32, #tpu.memory_space<hbm>>
    %dma_start3A_19 = arith.constant 0 : i32
    %dma_start3A_20 = tpu.memref_slice %arg5[%multiple_of3A_16, %dma_start3A_19] : memref<320000x128xf32, #tpu.memory_space<hbm>> -> memref<96x128xf32, #tpu.memory_space<hbm>>
    tpu.enqueue_dma source(%dma_start3A_20 : memref<96x128xf32, #tpu.memory_space<hbm>>) target(%arg15 : memref<96x128xf32, #tpu.memory_space<vmem>>) target_semaphore(%arg24 : memref<!tpu.dma_semaphore, #tpu.memory_space<semaphore_mem>>)
    %add3A_21 = arith.constant 96 : i32
    %add3A_22 = arith.addi %mul3A_5, %add3A_21 : i32
    %multiple_of3A_23 = tpu.assume_multiple %add3A_22, 8 : i32
    %dma_start3A_24 = tpu.memref_slice %arg3[%multiple_of3A_23] : memref<320000xi32, #tpu.memory_space<hbm>> -> memref<96xi32, #tpu.memory_space<hbm>>
    %dma_start3A_25 = tpu.memref_slice %arg3[%multiple_of3A_23] : memref<320000xi32, #tpu.memory_space<hbm>> -> memref<96xi32, #tpu.memory_space<hbm>>
    tpu.enqueue_dma source(%dma_start3A_25 : memref<96xi32, #tpu.memory_space<hbm>>) target(%arg8 : memref<96xi32, #tpu.memory_space<vmem>>) target_semaphore(%arg21 : memref<!tpu.dma_semaphore, #tpu.memory_space<semaphore_mem>>)
    %add3A_26 = arith.constant 96 : i32
    %add3A_27 = arith.addi %mul3A_5, %add3A_26 : i32
    %multiple_of3A_28 = tpu.assume_multiple %add3A_27, 8 : i32
    %dma_start3A_29 = tpu.memref_slice %arg4[%multiple_of3A_28] : memref<320000xi32, #tpu.memory_space<hbm>> -> memref<96xi32, #tpu.memory_space<hbm>>
    %dma_start3A_30 = tpu.memref_slice %arg4[%multiple_of3A_28] : memref<320000xi32, #tpu.memory_space<hbm>> -> memref<96xi32, #tpu.memory_space<hbm>>
    tpu.enqueue_dma source(%dma_start3A_30 : memref<96xi32, #tpu.memory_space<hbm>>) target(%arg10 : memref<96xi32, #tpu.memory_space<vmem>>) target_semaphore(%arg21 : memref<!tpu.dma_semaphore, #tpu.memory_space<semaphore_mem>>)
    %scan3A = arith.constant 0 : i32
    %scan3A_31 = arith.constant 0 : i32
    %scan3A_32 = arith.constant 51 : i32
    %scan3A_33 = arith.addi %scan3A_31, %scan3A_32 : i32
    %scan3A_34 = arith.constant 1 : i32
    scf.for %scan3A_226 = %scan3A_31 to %scan3A_33 step %scan3A_34  : i32 {
      %mul3A_227 = arith.constant 2 : i32
      %mul3A_228 = arith.muli %mul3A_227, %scan3A_226 : i32
      %add3A_229 = arith.constant 1 : i32
      %add3A_230 = arith.addi %add3A_229, %mul3A_228 : i32
      %gt3A = arith.constant 0 : i32
      %gt3A_231 = arith.cmpi sgt, %scan3A_226, %gt3A : i32
      %convert_element_type3A = arith.extui %gt3A_231 : i1 to i32
      %cond3A = arith.constant 0 : i32
      %cond3A_232 = arith.cmpi ne, %convert_element_type3A, %cond3A : i32
      scf.if %cond3A_232 {
        %dma_wait3A_439 = arith.constant 0 : i32
        %dma_wait3A_440 = arith.constant 0 : i32
        %dma_wait3A_441 = tpu.memref_slice %arg19[%dma_wait3A_439, %dma_wait3A_440] : memref<10000x128xf32, #tpu.memory_space<vmem_shared>> -> memref<10000x128xf32, #tpu.memory_space<vmem_shared>>
        tpu.wait_indirect_dma semaphore(%arg27 : memref<!tpu.dma_semaphore, #tpu.memory_space<semaphore_mem>>) src(%arg16 : memref<96x128xf32, #tpu.memory_space<vmem>>) dst(%dma_wait3A_441 : memref<10000x128xf32, #tpu.memory_space<vmem_shared>>)
      } else {
      }
      %mul3A_233 = arith.constant 96 : i32
      %mul3A_234 = arith.muli %add3A_230, %mul3A_233 : i32
      %add3A_235 = arith.addi %mul3A_5, %mul3A_234 : i32
      %multiple_of3A_236 = tpu.assume_multiple %add3A_235, 8 : i32
      %dma_wait3A_237 = tpu.memref_slice %arg3[%multiple_of3A_236] : memref<320000xi32, #tpu.memory_space<hbm>> -> memref<96xi32, #tpu.memory_space<hbm>>
      %dma_wait3A_238 = tpu.memref_slice %arg3[%multiple_of3A_236] : memref<320000xi32, #tpu.memory_space<hbm>> -> memref<96xi32, #tpu.memory_space<hbm>>
      tpu.wait_dma2 semaphore(%arg21 : memref<!tpu.dma_semaphore, #tpu.memory_space<semaphore_mem>>) src(%dma_wait3A_238 : memref<96xi32, #tpu.memory_space<hbm>>) dst(%arg8 : memref<96xi32, #tpu.memory_space<vmem>>)
      %mul3A_239 = arith.constant 96 : i32
      %mul3A_240 = arith.muli %add3A_230, %mul3A_239 : i32
      %add3A_241 = arith.addi %mul3A_5, %mul3A_240 : i32
      %multiple_of3A_242 = tpu.assume_multiple %add3A_241, 8 : i32
      %dma_wait3A_243 = tpu.memref_slice %arg4[%multiple_of3A_242] : memref<320000xi32, #tpu.memory_space<hbm>> -> memref<96xi32, #tpu.memory_space<hbm>>
      %dma_wait3A_244 = tpu.memref_slice %arg4[%multiple_of3A_242] : memref<320000xi32, #tpu.memory_space<hbm>> -> memref<96xi32, #tpu.memory_space<hbm>>
      tpu.wait_dma2 semaphore(%arg21 : memref<!tpu.dma_semaphore, #tpu.memory_space<semaphore_mem>>) src(%dma_wait3A_244 : memref<96xi32, #tpu.memory_space<hbm>>) dst(%arg10 : memref<96xi32, #tpu.memory_space<vmem>>)
      %dma_start3A_245 = arith.constant 0 : i32
      %dma_start3A_246 = arith.constant 0 : i32
      %dma_start3A_247 = tpu.memref_slice %arg2[%dma_start3A_245, %dma_start3A_246] : memref<10000x128xf32, #tpu.memory_space<hbm>> -> memref<10000x128xf32, #tpu.memory_space<hbm>>
      tpu.enqueue_indirect_dma source(%dma_start3A_247 : memref<10000x128xf32, #tpu.memory_space<hbm>>) target(%arg14 : memref<96x128xf32, #tpu.memory_space<vmem>>) offsets(%arg8 : memref<96xi32, #tpu.memory_space<vmem>>) semaphore(%arg23 : memref<!tpu.dma_semaphore, #tpu.memory_space<semaphore_mem>>)
      %mul3A_248 = arith.constant 96 : i32
      %mul3A_249 = arith.muli %add3A_230, %mul3A_248 : i32
      %add3A_250 = arith.addi %mul3A_5, %mul3A_249 : i32
      %multiple_of3A_251 = tpu.assume_multiple %add3A_250, 8 : i32
      %dma_start3A_252 = arith.constant 0 : i32
      %dma_start3A_253 = tpu.memref_slice %arg5[%multiple_of3A_251, %dma_start3A_252] : memref<320000x128xf32, #tpu.memory_space<hbm>> -> memref<96x128xf32, #tpu.memory_space<hbm>>
      %dma_start3A_254 = arith.constant 0 : i32
      %dma_start3A_255 = tpu.memref_slice %arg5[%multiple_of3A_251, %dma_start3A_254] : memref<320000x128xf32, #tpu.memory_space<hbm>> -> memref<96x128xf32, #tpu.memory_space<hbm>>
      tpu.enqueue_dma source(%dma_start3A_255 : memref<96x128xf32, #tpu.memory_space<hbm>>) target(%arg16 : memref<96x128xf32, #tpu.memory_space<vmem>>) target_semaphore(%arg25 : memref<!tpu.dma_semaphore, #tpu.memory_space<semaphore_mem>>)
      %sub3A = arith.constant 1 : i32
      %sub3A_256 = arith.subi %add3A_230, %sub3A : i32
      %dma_wait3A_257 = arith.constant 0 : i32
      %dma_wait3A_258 = arith.constant 0 : i32
      %dma_wait3A_259 = tpu.memref_slice %arg2[%dma_wait3A_257, %dma_wait3A_258] : memref<10000x128xf32, #tpu.memory_space<hbm>> -> memref<10000x128xf32, #tpu.memory_space<hbm>>
      tpu.wait_indirect_dma semaphore(%arg22 : memref<!tpu.dma_semaphore, #tpu.memory_space<semaphore_mem>>) src(%dma_wait3A_259 : memref<10000x128xf32, #tpu.memory_space<hbm>>) dst(%arg13 : memref<96x128xf32, #tpu.memory_space<vmem>>)
      %mul3A_260 = arith.constant 96 : i32
      %mul3A_261 = arith.muli %sub3A_256, %mul3A_260 : i32
      %add3A_262 = arith.addi %mul3A_5, %mul3A_261 : i32
      %multiple_of3A_263 = tpu.assume_multiple %add3A_262, 8 : i32
      %dma_wait3A_264 = arith.constant 0 : i32
      %dma_wait3A_265 = tpu.memref_slice %arg5[%multiple_of3A_263, %dma_wait3A_264] : memref<320000x128xf32, #tpu.memory_space<hbm>> -> memref<96x128xf32, #tpu.memory_space<hbm>>
      %dma_wait3A_266 = arith.constant 0 : i32
      %dma_wait3A_267 = tpu.memref_slice %arg5[%multiple_of3A_263, %dma_wait3A_266] : memref<320000x128xf32, #tpu.memory_space<hbm>> -> memref<96x128xf32, #tpu.memory_space<hbm>>
      tpu.wait_dma2 semaphore(%arg24 : memref<!tpu.dma_semaphore, #tpu.memory_space<semaphore_mem>>) src(%dma_wait3A_267 : memref<96x128xf32, #tpu.memory_space<hbm>>) dst(%arg15 : memref<96x128xf32, #tpu.memory_space<vmem>>)
      %scan3A_268 = arith.constant 0 : i32
      %scan3A_269 = arith.constant 0 : i32
      %scan3A_270 = arith.constant 96 : i32
      %scan3A_271 = arith.addi %scan3A_269, %scan3A_270 : i32
      %scan3A_272 = arith.constant 1 : i32
      scf.for %scan3A_439 = %scan3A_269 to %scan3A_271 step %scan3A_272  : i32 {
        %get3A_440 = arith.index_cast %scan3A_439 : i32 to index
        %get3A_441 = arith.constant 0 : index
        %get3A_442 = tpu.vector_load %arg13[%get3A_440, %get3A_441] {strides = array<i32>} : memref<96x128xf32, #tpu.memory_space<vmem>>, vector<1x16xf32>,
        %get3A_443 = vector.shape_cast %get3A_442 : vector<1x16xf32> to vector<16xf32>
        %swap3A_444 = arith.index_cast %scan3A_439 : i32 to index
        %swap3A_445 = arith.constant 0 : index
        %swap3A_446 = tpu.vector_load %arg15[%swap3A_444, %swap3A_445] {strides = array<i32>} : memref<96x128xf32, #tpu.memory_space<vmem>>, vector<1x16xf32>,
        %swap3A_447 = vector.shape_cast %swap3A_446 : vector<1x16xf32> to vector<16xf32>
        %swap3A_448 = vector.shape_cast %get3A_443 : vector<16xf32> to vector<1x16xf32>
        tpu.vector_store %arg15[%swap3A_444, %swap3A_445], %swap3A_448 {add = true, strides = array<i32>} : memref<96x128xf32, #tpu.memory_space<vmem>>, vector<1x16xf32>,
        %get3A_449 = arith.index_cast %scan3A_439 : i32 to index
        %get3A_450 = arith.constant 16 : index
        %get3A_451 = tpu.vector_load %arg13[%get3A_449, %get3A_450] {strides = array<i32>} : memref<96x128xf32, #tpu.memory_space<vmem>>, vector<1x16xf32>,
        %get3A_452 = vector.shape_cast %get3A_451 : vector<1x16xf32> to vector<16xf32>
        %swap3A_453 = arith.index_cast %scan3A_439 : i32 to index
        %swap3A_454 = arith.constant 16 : index
        %swap3A_455 = tpu.vector_load %arg15[%swap3A_453, %swap3A_454] {strides = array<i32>} : memref<96x128xf32, #tpu.memory_space<vmem>>, vector<1x16xf32>,
        %swap3A_456 = vector.shape_cast %swap3A_455 : vector<1x16xf32> to vector<16xf32>
        %swap3A_457 = vector.shape_cast %get3A_452 : vector<16xf32> to vector<1x16xf32>
        tpu.vector_store %arg15[%swap3A_453, %swap3A_454], %swap3A_457 {add = true, strides = array<i32>} : memref<96x128xf32, #tpu.memory_space<vmem>>, vector<1x16xf32>,
        %get3A_458 = arith.index_cast %scan3A_439 : i32 to index
        %get3A_459 = arith.constant 32 : index
        %get3A_460 = tpu.vector_load %arg13[%get3A_458, %get3A_459] {strides = array<i32>} : memref<96x128xf32, #tpu.memory_space<vmem>>, vector<1x16xf32>,
        %get3A_461 = vector.shape_cast %get3A_460 : vector<1x16xf32> to vector<16xf32>
        %swap3A_462 = arith.index_cast %scan3A_439 : i32 to index
        %swap3A_463 = arith.constant 32 : index
        %swap3A_464 = tpu.vector_load %arg15[%swap3A_462, %swap3A_463] {strides = array<i32>} : memref<96x128xf32, #tpu.memory_space<vmem>>, vector<1x16xf32>,
        %swap3A_465 = vector.shape_cast %swap3A_464 : vector<1x16xf32> to vector<16xf32>
        %swap3A_466 = vector.shape_cast %get3A_461 : vector<16xf32> to vector<1x16xf32>
        tpu.vector_store %arg15[%swap3A_462, %swap3A_463], %swap3A_466 {add = true, strides = array<i32>} : memref<96x128xf32, #tpu.memory_space<vmem>>, vector<1x16xf32>,
        %get3A_467 = arith.index_cast %scan3A_439 : i32 to index
        %get3A_468 = arith.constant 48 : index
        %get3A_469 = tpu.vector_load %arg13[%get3A_467, %get3A_468] {strides = array<i32>} : memref<96x128xf32, #tpu.memory_space<vmem>>, vector<1x16xf32>,
        %get3A_470 = vector.shape_cast %get3A_469 : vector<1x16xf32> to vector<16xf32>
        %swap3A_471 = arith.index_cast %scan3A_439 : i32 to index
        %swap3A_472 = arith.constant 48 : index
        %swap3A_473 = tpu.vector_load %arg15[%swap3A_471, %swap3A_472] {strides = array<i32>} : memref<96x128xf32, #tpu.memory_space<vmem>>, vector<1x16xf32>,
        %swap3A_474 = vector.shape_cast %swap3A_473 : vector<1x16xf32> to vector<16xf32>
        %swap3A_475 = vector.shape_cast %get3A_470 : vector<16xf32> to vector<1x16xf32>
        tpu.vector_store %arg15[%swap3A_471, %swap3A_472], %swap3A_475 {add = true, strides = array<i32>} : memref<96x128xf32, #tpu.memory_space<vmem>>, vector<1x16xf32>,
        %get3A_476 = arith.index_cast %scan3A_439 : i32 to index
        %get3A_477 = arith.constant 64 : index
        %get3A_478 = tpu.vector_load %arg13[%get3A_476, %get3A_477] {strides = array<i32>} : memref<96x128xf32, #tpu.memory_space<vmem>>, vector<1x16xf32>,
        %get3A_479 = vector.shape_cast %get3A_478 : vector<1x16xf32> to vector<16xf32>
        %swap3A_480 = arith.index_cast %scan3A_439 : i32 to index
        %swap3A_481 = arith.constant 64 : index
        %swap3A_482 = tpu.vector_load %arg15[%swap3A_480, %swap3A_481] {strides = array<i32>} : memref<96x128xf32, #tpu.memory_space<vmem>>, vector<1x16xf32>,
        %swap3A_483 = vector.shape_cast %swap3A_482 : vector<1x16xf32> to vector<16xf32>
        %swap3A_484 = vector.shape_cast %get3A_479 : vector<16xf32> to vector<1x16xf32>
        tpu.vector_store %arg15[%swap3A_480, %swap3A_481], %swap3A_484 {add = true, strides = array<i32>} : memref<96x128xf32, #tpu.memory_space<vmem>>, vector<1x16xf32>,
        %get3A_485 = arith.index_cast %scan3A_439 : i32 to index
        %get3A_486 = arith.constant 80 : index
        %get3A_487 = tpu.vector_load %arg13[%get3A_485, %get3A_486] {strides = array<i32>} : memref<96x128xf32, #tpu.memory_space<vmem>>, vector<1x16xf32>,
        %get3A_488 = vector.shape_cast %get3A_487 : vector<1x16xf32> to vector<16xf32>
        %swap3A_489 = arith.index_cast %scan3A_439 : i32 to index
        %swap3A_490 = arith.constant 80 : index
        %swap3A_491 = tpu.vector_load %arg15[%swap3A_489, %swap3A_490] {strides = array<i32>} : memref<96x128xf32, #tpu.memory_space<vmem>>, vector<1x16xf32>,
        %swap3A_492 = vector.shape_cast %swap3A_491 : vector<1x16xf32> to vector<16xf32>
        %swap3A_493 = vector.shape_cast %get3A_488 : vector<16xf32> to vector<1x16xf32>
        tpu.vector_store %arg15[%swap3A_489, %swap3A_490], %swap3A_493 {add = true, strides = array<i32>} : memref<96x128xf32, #tpu.memory_space<vmem>>, vector<1x16xf32>,
        %get3A_494 = arith.index_cast %scan3A_439 : i32 to index
        %get3A_495 = arith.constant 96 : index
        %get3A_496 = tpu.vector_load %arg13[%get3A_494, %get3A_495] {strides = array<i32>} : memref<96x128xf32, #tpu.memory_space<vmem>>, vector<1x16xf32>,
        %get3A_497 = vector.shape_cast %get3A_496 : vector<1x16xf32> to vector<16xf32>
        %swap3A_498 = arith.index_cast %scan3A_439 : i32 to index
        %swap3A_499 = arith.constant 96 : index
        %swap3A_500 = tpu.vector_load %arg15[%swap3A_498, %swap3A_499] {strides = array<i32>} : memref<96x128xf32, #tpu.memory_space<vmem>>, vector<1x16xf32>,
        %swap3A_501 = vector.shape_cast %swap3A_500 : vector<1x16xf32> to vector<16xf32>
        %swap3A_502 = vector.shape_cast %get3A_497 : vector<16xf32> to vector<1x16xf32>
        tpu.vector_store %arg15[%swap3A_498, %swap3A_499], %swap3A_502 {add = true, strides = array<i32>} : memref<96x128xf32, #tpu.memory_space<vmem>>, vector<1x16xf32>,
        %get3A_503 = arith.index_cast %scan3A_439 : i32 to index
        %get3A_504 = arith.constant 112 : index
        %get3A_505 = tpu.vector_load %arg13[%get3A_503, %get3A_504] {strides = array<i32>} : memref<96x128xf32, #tpu.memory_space<vmem>>, vector<1x16xf32>,
        %get3A_506 = vector.shape_cast %get3A_505 : vector<1x16xf32> to vector<16xf32>
        %swap3A_507 = arith.index_cast %scan3A_439 : i32 to index
        %swap3A_508 = arith.constant 112 : index
        %swap3A_509 = tpu.vector_load %arg15[%swap3A_507, %swap3A_508] {strides = array<i32>} : memref<96x128xf32, #tpu.memory_space<vmem>>, vector<1x16xf32>,
        %swap3A_510 = vector.shape_cast %swap3A_509 : vector<1x16xf32> to vector<16xf32>
        %swap3A_511 = vector.shape_cast %get3A_506 : vector<16xf32> to vector<1x16xf32>
        tpu.vector_store %arg15[%swap3A_507, %swap3A_508], %swap3A_511 {add = true, strides = array<i32>} : memref<96x128xf32, #tpu.memory_space<vmem>>, vector<1x16xf32>,
      }
      %scan3A_273 = arith.constant 96 : i32
      %get3A_274 = arith.constant 0 : index
      %get3A_275 = tpu.vector_load %arg9[%get3A_274] {strides = array<i32>} : memref<96xi32, #tpu.memory_space<vmem>>, vector<16xi32>,
      %get3A_276 = vector.shape_cast %get3A_275 : vector<16xi32> to vector<16xi32>
      %swap3A_277 = arith.constant 0 : index
      %swap3A_278 = tpu.vector_load %arg11[%swap3A_277] {strides = array<i32>} : memref<96xi32, #tpu.memory_space<vmem>>, vector<16xi32>,
      %swap3A_279 = vector.shape_cast %swap3A_278 : vector<16xi32> to vector<16xi32>
      %swap3A_280 = vector.shape_cast %get3A_276 : vector<16xi32> to vector<16xi32>
      tpu.vector_store %arg11[%swap3A_277], %swap3A_280 {strides = array<i32>} : memref<96xi32, #tpu.memory_space<vmem>>, vector<16xi32>,
      %get3A_281 = arith.constant 16 : index
      %get3A_282 = tpu.vector_load %arg9[%get3A_281] {strides = array<i32>} : memref<96xi32, #tpu.memory_space<vmem>>, vector<16xi32>,
      %get3A_283 = vector.shape_cast %get3A_282 : vector<16xi32> to vector<16xi32>
      %swap3A_284 = arith.constant 16 : index
      %swap3A_285 = tpu.vector_load %arg11[%swap3A_284] {strides = array<i32>} : memref<96xi32, #tpu.memory_space<vmem>>, vector<16xi32>,
      %swap3A_286 = vector.shape_cast %swap3A_285 : vector<16xi32> to vector<16xi32>
      %swap3A_287 = vector.shape_cast %get3A_283 : vector<16xi32> to vector<16xi32>
      tpu.vector_store %arg11[%swap3A_284], %swap3A_287 {strides = array<i32>} : memref<96xi32, #tpu.memory_space<vmem>>, vector<16xi32>,
      %get3A_288 = arith.constant 32 : index
      %get3A_289 = tpu.vector_load %arg9[%get3A_288] {strides = array<i32>} : memref<96xi32, #tpu.memory_space<vmem>>, vector<16xi32>,
      %get3A_290 = vector.shape_cast %get3A_289 : vector<16xi32> to vector<16xi32>
      %swap3A_291 = arith.constant 32 : index
      %swap3A_292 = tpu.vector_load %arg11[%swap3A_291] {strides = array<i32>} : memref<96xi32, #tpu.memory_space<vmem>>, vector<16xi32>,
      %swap3A_293 = vector.shape_cast %swap3A_292 : vector<16xi32> to vector<16xi32>
      %swap3A_294 = vector.shape_cast %get3A_290 : vector<16xi32> to vector<16xi32>
      tpu.vector_store %arg11[%swap3A_291], %swap3A_294 {strides = array<i32>} : memref<96xi32, #tpu.memory_space<vmem>>, vector<16xi32>,
      %get3A_295 = arith.constant 48 : index
      %get3A_296 = tpu.vector_load %arg9[%get3A_295] {strides = array<i32>} : memref<96xi32, #tpu.memory_space<vmem>>, vector<16xi32>,
      %get3A_297 = vector.shape_cast %get3A_296 : vector<16xi32> to vector<16xi32>
      %swap3A_298 = arith.constant 48 : index
      %swap3A_299 = tpu.vector_load %arg11[%swap3A_298] {strides = array<i32>} : memref<96xi32, #tpu.memory_space<vmem>>, vector<16xi32>,
      %swap3A_300 = vector.shape_cast %swap3A_299 : vector<16xi32> to vector<16xi32>
      %swap3A_301 = vector.shape_cast %get3A_297 : vector<16xi32> to vector<16xi32>
      tpu.vector_store %arg11[%swap3A_298], %swap3A_301 {strides = array<i32>} : memref<96xi32, #tpu.memory_space<vmem>>, vector<16xi32>,
      %get3A_302 = arith.constant 64 : index
      %get3A_303 = tpu.vector_load %arg9[%get3A_302] {strides = array<i32>} : memref<96xi32, #tpu.memory_space<vmem>>, vector<16xi32>,
      %get3A_304 = vector.shape_cast %get3A_303 : vector<16xi32> to vector<16xi32>
      %swap3A_305 = arith.constant 64 : index
      %swap3A_306 = tpu.vector_load %arg11[%swap3A_305] {strides = array<i32>} : memref<96xi32, #tpu.memory_space<vmem>>, vector<16xi32>,
      %swap3A_307 = vector.shape_cast %swap3A_306 : vector<16xi32> to vector<16xi32>
      %swap3A_308 = vector.shape_cast %get3A_304 : vector<16xi32> to vector<16xi32>
      tpu.vector_store %arg11[%swap3A_305], %swap3A_308 {strides = array<i32>} : memref<96xi32, #tpu.memory_space<vmem>>, vector<16xi32>,
      %get3A_309 = arith.constant 80 : index
      %get3A_310 = tpu.vector_load %arg9[%get3A_309] {strides = array<i32>} : memref<96xi32, #tpu.memory_space<vmem>>, vector<16xi32>,
      %get3A_311 = vector.shape_cast %get3A_310 : vector<16xi32> to vector<16xi32>
      %swap3A_312 = arith.constant 80 : index
      %swap3A_313 = tpu.vector_load %arg11[%swap3A_312] {strides = array<i32>} : memref<96xi32, #tpu.memory_space<vmem>>, vector<16xi32>,
      %swap3A_314 = vector.shape_cast %swap3A_313 : vector<16xi32> to vector<16xi32>
      %swap3A_315 = vector.shape_cast %get3A_311 : vector<16xi32> to vector<16xi32>
      tpu.vector_store %arg11[%swap3A_312], %swap3A_315 {strides = array<i32>} : memref<96xi32, #tpu.memory_space<vmem>>, vector<16xi32>,
      %dma_start3A_316 = arith.constant 0 : i32
      %dma_start3A_317 = arith.constant 0 : i32
      %dma_start3A_318 = tpu.memref_slice %arg19[%dma_start3A_316, %dma_start3A_317] : memref<10000x128xf32, #tpu.memory_space<vmem_shared>> -> memref<10000x128xf32, #tpu.memory_space<vmem_shared>>
      tpu.enqueue_indirect_dma source(%arg15 : memref<96x128xf32, #tpu.memory_space<vmem>>) target(%dma_start3A_318 : memref<10000x128xf32, #tpu.memory_space<vmem_shared>>) offsets(%arg11 : memref<96xi32, #tpu.memory_space<vmem>>) semaphore(%arg26 : memref<!tpu.dma_semaphore, #tpu.memory_space<semaphore_mem>>) {add = true}
      %add3A_319 = arith.constant 1 : i32
      %add3A_320 = arith.addi %add3A_230, %add3A_319 : i32
      %mul3A_321 = arith.constant 96 : i32
      %mul3A_322 = arith.muli %add3A_320, %mul3A_321 : i32
      %add3A_323 = arith.addi %mul3A_5, %mul3A_322 : i32
      %multiple_of3A_324 = tpu.assume_multiple %add3A_323, 8 : i32
      %dma_start3A_325 = tpu.memref_slice %arg3[%multiple_of3A_324] : memref<320000xi32, #tpu.memory_space<hbm>> -> memref<96xi32, #tpu.memory_space<hbm>>
      %dma_start3A_326 = tpu.memref_slice %arg3[%multiple_of3A_324] : memref<320000xi32, #tpu.memory_space<hbm>> -> memref<96xi32, #tpu.memory_space<hbm>>
      tpu.enqueue_dma source(%dma_start3A_326 : memref<96xi32, #tpu.memory_space<hbm>>) target(%arg7 : memref<96xi32, #tpu.memory_space<vmem>>) target_semaphore(%arg20 : memref<!tpu.dma_semaphore, #tpu.memory_space<semaphore_mem>>)
      %mul3A_327 = arith.constant 96 : i32
      %mul3A_328 = arith.muli %add3A_320, %mul3A_327 : i32
      %add3A_329 = arith.addi %mul3A_5, %mul3A_328 : i32
      %multiple_of3A_330 = tpu.assume_multiple %add3A_329, 8 : i32
      %dma_start3A_331 = tpu.memref_slice %arg4[%multiple_of3A_330] : memref<320000xi32, #tpu.memory_space<hbm>> -> memref<96xi32, #tpu.memory_space<hbm>>
      %dma_start3A_332 = tpu.memref_slice %arg4[%multiple_of3A_330] : memref<320000xi32, #tpu.memory_space<hbm>> -> memref<96xi32, #tpu.memory_space<hbm>>
      tpu.enqueue_dma source(%dma_start3A_332 : memref<96xi32, #tpu.memory_space<hbm>>) target(%arg9 : memref<96xi32, #tpu.memory_space<vmem>>) target_semaphore(%arg20 : memref<!tpu.dma_semaphore, #tpu.memory_space<semaphore_mem>>)
      %add3A_333 = arith.constant 1 : i32
      %add3A_334 = arith.addi %add3A_230, %add3A_333 : i32
      %dma_wait3A_335 = arith.constant 0 : i32
      %dma_wait3A_336 = arith.constant 0 : i32
      %dma_wait3A_337 = tpu.memref_slice %arg19[%dma_wait3A_335, %dma_wait3A_336] : memref<10000x128xf32, #tpu.memory_space<vmem_shared>> -> memref<10000x128xf32, #tpu.memory_space<vmem_shared>>
      tpu.wait_indirect_dma semaphore(%arg26 : memref<!tpu.dma_semaphore, #tpu.memory_space<semaphore_mem>>) src(%arg15 : memref<96x128xf32, #tpu.memory_space<vmem>>) dst(%dma_wait3A_337 : memref<10000x128xf32, #tpu.memory_space<vmem_shared>>)
      %mul3A_338 = arith.constant 96 : i32
      %mul3A_339 = arith.muli %add3A_334, %mul3A_338 : i32
      %add3A_340 = arith.addi %mul3A_5, %mul3A_339 : i32
      %multiple_of3A_341 = tpu.assume_multiple %add3A_340, 8 : i32
      %dma_wait3A_342 = tpu.memref_slice %arg3[%multiple_of3A_341] : memref<320000xi32, #tpu.memory_space<hbm>> -> memref<96xi32, #tpu.memory_space<hbm>>
      %dma_wait3A_343 = tpu.memref_slice %arg3[%multiple_of3A_341] : memref<320000xi32, #tpu.memory_space<hbm>> -> memref<96xi32, #tpu.memory_space<hbm>>
      tpu.wait_dma2 semaphore(%arg20 : memref<!tpu.dma_semaphore, #tpu.memory_space<semaphore_mem>>) src(%dma_wait3A_343 : memref<96xi32, #tpu.memory_space<hbm>>) dst(%arg7 : memref<96xi32, #tpu.memory_space<vmem>>)
      %mul3A_344 = arith.constant 96 : i32
      %mul3A_345 = arith.muli %add3A_334, %mul3A_344 : i32
      %add3A_346 = arith.addi %mul3A_5, %mul3A_345 : i32
      %multiple_of3A_347 = tpu.assume_multiple %add3A_346, 8 : i32
      %dma_wait3A_348 = tpu.memref_slice %arg4[%multiple_of3A_347] : memref<320000xi32, #tpu.memory_space<hbm>> -> memref<96xi32, #tpu.memory_space<hbm>>
      %dma_wait3A_349 = tpu.memref_slice %arg4[%multiple_of3A_347] : memref<320000xi32, #tpu.memory_space<hbm>> -> memref<96xi32, #tpu.memory_space<hbm>>
      tpu.wait_dma2 semaphore(%arg20 : memref<!tpu.dma_semaphore, #tpu.memory_space<semaphore_mem>>) src(%dma_wait3A_349 : memref<96xi32, #tpu.memory_space<hbm>>) dst(%arg9 : memref<96xi32, #tpu.memory_space<vmem>>)
      %dma_start3A_350 = arith.constant 0 : i32
      %dma_start3A_351 = arith.constant 0 : i32
      %dma_start3A_352 = tpu.memref_slice %arg2[%dma_start3A_350, %dma_start3A_351] : memref<10000x128xf32, #tpu.memory_space<hbm>> -> memref<10000x128xf32, #tpu.memory_space<hbm>>
      tpu.enqueue_indirect_dma source(%dma_start3A_352 : memref<10000x128xf32, #tpu.memory_space<hbm>>) target(%arg13 : memref<96x128xf32, #tpu.memory_space<vmem>>) offsets(%arg7 : memref<96xi32, #tpu.memory_space<vmem>>) semaphore(%arg22 : memref<!tpu.dma_semaphore, #tpu.memory_space<semaphore_mem>>)
      %mul3A_353 = arith.constant 96 : i32
      %mul3A_354 = arith.muli %add3A_334, %mul3A_353 : i32
      %add3A_355 = arith.addi %mul3A_5, %mul3A_354 : i32
      %multiple_of3A_356 = tpu.assume_multiple %add3A_355, 8 : i32
      %dma_start3A_357 = arith.constant 0 : i32
      %dma_start3A_358 = tpu.memref_slice %arg5[%multiple_of3A_356, %dma_start3A_357] : memref<320000x128xf32, #tpu.memory_space<hbm>> -> memref<96x128xf32, #tpu.memory_space<hbm>>
      %dma_start3A_359 = arith.constant 0 : i32
      %dma_start3A_360 = tpu.memref_slice %arg5[%multiple_of3A_356, %dma_start3A_359] : memref<320000x128xf32, #tpu.memory_space<hbm>> -> memref<96x128xf32, #tpu.memory_space<hbm>>
      tpu.enqueue_dma source(%dma_start3A_360 : memref<96x128xf32, #tpu.memory_space<hbm>>) target(%arg15 : memref<96x128xf32, #tpu.memory_space<vmem>>) target_semaphore(%arg24 : memref<!tpu.dma_semaphore, #tpu.memory_space<semaphore_mem>>)
      %sub3A_361 = arith.constant 1 : i32
      %sub3A_362 = arith.subi %add3A_334, %sub3A_361 : i32
      %dma_wait3A_363 = arith.constant 0 : i32
      %dma_wait3A_364 = arith.constant 0 : i32
      %dma_wait3A_365 = tpu.memref_slice %arg2[%dma_wait3A_363, %dma_wait3A_364] : memref<10000x128xf32, #tpu.memory_space<hbm>> -> memref<10000x128xf32, #tpu.memory_space<hbm>>
      tpu.wait_indirect_dma semaphore(%arg23 : memref<!tpu.dma_semaphore, #tpu.memory_space<semaphore_mem>>) src(%dma_wait3A_365 : memref<10000x128xf32, #tpu.memory_space<hbm>>) dst(%arg14 : memref<96x128xf32, #tpu.memory_space<vmem>>)
      %mul3A_366 = arith.constant 96 : i32
      %mul3A_367 = arith.muli %sub3A_362, %mul3A_366 : i32
      %add3A_368 = arith.addi %mul3A_5, %mul3A_367 : i32
      %multiple_of3A_369 = tpu.assume_multiple %add3A_368, 8 : i32
      %dma_wait3A_370 = arith.constant 0 : i32
      %dma_wait3A_371 = tpu.memref_slice %arg5[%multiple_of3A_369, %dma_wait3A_370] : memref<320000x128xf32, #tpu.memory_space<hbm>> -> memref<96x128xf32, #tpu.memory_space<hbm>>
      %dma_wait3A_372 = arith.constant 0 : i32
      %dma_wait3A_373 = tpu.memref_slice %arg5[%multiple_of3A_369, %dma_wait3A_372] : memref<320000x128xf32, #tpu.memory_space<hbm>> -> memref<96x128xf32, #tpu.memory_space<hbm>>
      tpu.wait_dma2 semaphore(%arg25 : memref<!tpu.dma_semaphore, #tpu.memory_space<semaphore_mem>>) src(%dma_wait3A_373 : memref<96x128xf32, #tpu.memory_space<hbm>>) dst(%arg16 : memref<96x128xf32, #tpu.memory_space<vmem>>)
      %scan3A_374 = arith.constant 0 : i32
      %scan3A_375 = arith.constant 0 : i32
      %scan3A_376 = arith.constant 96 : i32
      %scan3A_377 = arith.addi %scan3A_375, %scan3A_376 : i32
      %scan3A_378 = arith.constant 1 : i32
      scf.for %scan3A_439 = %scan3A_375 to %scan3A_377 step %scan3A_378  : i32 {
        %get3A_440 = arith.index_cast %scan3A_439 : i32 to index
        %get3A_441 = arith.constant 0 : index
        %get3A_442 = tpu.vector_load %arg14[%get3A_440, %get3A_441] {strides = array<i32>} : memref<96x128xf32, #tpu.memory_space<vmem>>, vector<1x16xf32>,
        %get3A_443 = vector.shape_cast %get3A_442 : vector<1x16xf32> to vector<16xf32>
        %swap3A_444 = arith.index_cast %scan3A_439 : i32 to index
        %swap3A_445 = arith.constant 0 : index
        %swap3A_446 = tpu.vector_load %arg16[%swap3A_444, %swap3A_445] {strides = array<i32>} : memref<96x128xf32, #tpu.memory_space<vmem>>, vector<1x16xf32>,
        %swap3A_447 = vector.shape_cast %swap3A_446 : vector<1x16xf32> to vector<16xf32>
        %swap3A_448 = vector.shape_cast %get3A_443 : vector<16xf32> to vector<1x16xf32>
        tpu.vector_store %arg16[%swap3A_444, %swap3A_445], %swap3A_448 {add = true, strides = array<i32>} : memref<96x128xf32, #tpu.memory_space<vmem>>, vector<1x16xf32>,
        %get3A_449 = arith.index_cast %scan3A_439 : i32 to index
        %get3A_450 = arith.constant 16 : index
        %get3A_451 = tpu.vector_load %arg14[%get3A_449, %get3A_450] {strides = array<i32>} : memref<96x128xf32, #tpu.memory_space<vmem>>, vector<1x16xf32>,
        %get3A_452 = vector.shape_cast %get3A_451 : vector<1x16xf32> to vector<16xf32>
        %swap3A_453 = arith.index_cast %scan3A_439 : i32 to index
        %swap3A_454 = arith.constant 16 : index
        %swap3A_455 = tpu.vector_load %arg16[%swap3A_453, %swap3A_454] {strides = array<i32>} : memref<96x128xf32, #tpu.memory_space<vmem>>, vector<1x16xf32>,
        %swap3A_456 = vector.shape_cast %swap3A_455 : vector<1x16xf32> to vector<16xf32>
        %swap3A_457 = vector.shape_cast %get3A_452 : vector<16xf32> to vector<1x16xf32>
        tpu.vector_store %arg16[%swap3A_453, %swap3A_454], %swap3A_457 {add = true, strides = array<i32>} : memref<96x128xf32, #tpu.memory_space<vmem>>, vector<1x16xf32>,
        %get3A_458 = arith.index_cast %scan3A_439 : i32 to index
        %get3A_459 = arith.constant 32 : index
        %get3A_460 = tpu.vector_load %arg14[%get3A_458, %get3A_459] {strides = array<i32>} : memref<96x128xf32, #tpu.memory_space<vmem>>, vector<1x16xf32>,
        %get3A_461 = vector.shape_cast %get3A_460 : vector<1x16xf32> to vector<16xf32>
        %swap3A_462 = arith.index_cast %scan3A_439 : i32 to index
        %swap3A_463 = arith.constant 32 : index
        %swap3A_464 = tpu.vector_load %arg16[%swap3A_462, %swap3A_463] {strides = array<i32>} : memref<96x128xf32, #tpu.memory_space<vmem>>, vector<1x16xf32>,
        %swap3A_465 = vector.shape_cast %swap3A_464 : vector<1x16xf32> to vector<16xf32>
        %swap3A_466 = vector.shape_cast %get3A_461 : vector<16xf32> to vector<1x16xf32>
        tpu.vector_store %arg16[%swap3A_462, %swap3A_463], %swap3A_466 {add = true, strides = array<i32>} : memref<96x128xf32, #tpu.memory_space<vmem>>, vector<1x16xf32>,
        %get3A_467 = arith.index_cast %scan3A_439 : i32 to index
        %get3A_468 = arith.constant 48 : index
        %get3A_469 = tpu.vector_load %arg14[%get3A_467, %get3A_468] {strides = array<i32>} : memref<96x128xf32, #tpu.memory_space<vmem>>, vector<1x16xf32>,
        %get3A_470 = vector.shape_cast %get3A_469 : vector<1x16xf32> to vector<16xf32>
        %swap3A_471 = arith.index_cast %scan3A_439 : i32 to index
        %swap3A_472 = arith.constant 48 : index
        %swap3A_473 = tpu.vector_load %arg16[%swap3A_471, %swap3A_472] {strides = array<i32>} : memref<96x128xf32, #tpu.memory_space<vmem>>, vector<1x16xf32>,
        %swap3A_474 = vector.shape_cast %swap3A_473 : vector<1x16xf32> to vector<16xf32>
        %swap3A_475 = vector.shape_cast %get3A_470 : vector<16xf32> to vector<1x16xf32>
        tpu.vector_store %arg16[%swap3A_471, %swap3A_472], %swap3A_475 {add = true, strides = array<i32>} : memref<96x128xf32, #tpu.memory_space<vmem>>, vector<1x16xf32>,
        %get3A_476 = arith.index_cast %scan3A_439 : i32 to index
        %get3A_477 = arith.constant 64 : index
        %get3A_478 = tpu.vector_load %arg14[%get3A_476, %get3A_477] {strides = array<i32>} : memref<96x128xf32, #tpu.memory_space<vmem>>, vector<1x16xf32>,
        %get3A_479 = vector.shape_cast %get3A_478 : vector<1x16xf32> to vector<16xf32>
        %swap3A_480 = arith.index_cast %scan3A_439 : i32 to index
        %swap3A_481 = arith.constant 64 : index
        %swap3A_482 = tpu.vector_load %arg16[%swap3A_480, %swap3A_481] {strides = array<i32>} : memref<96x128xf32, #tpu.memory_space<vmem>>, vector<1x16xf32>,
        %swap3A_483 = vector.shape_cast %swap3A_482 : vector<1x16xf32> to vector<16xf32>
        %swap3A_484 = vector.shape_cast %get3A_479 : vector<16xf32> to vector<1x16xf32>
        tpu.vector_store %arg16[%swap3A_480, %swap3A_481], %swap3A_484 {add = true, strides = array<i32>} : memref<96x128xf32, #tpu.memory_space<vmem>>, vector<1x16xf32>,
        %get3A_485 = arith.index_cast %scan3A_439 : i32 to index
        %get3A_486 = arith.constant 80 : index
        %get3A_487 = tpu.vector_load %arg14[%get3A_485, %get3A_486] {strides = array<i32>} : memref<96x128xf32, #tpu.memory_space<vmem>>, vector<1x16xf32>,
        %get3A_488 = vector.shape_cast %get3A_487 : vector<1x16xf32> to vector<16xf32>
        %swap3A_489 = arith.index_cast %scan3A_439 : i32 to index
        %swap3A_490 = arith.constant 80 : index
        %swap3A_491 = tpu.vector_load %arg16[%swap3A_489, %swap3A_490] {strides = array<i32>} : memref<96x128xf32, #tpu.memory_space<vmem>>, vector<1x16xf32>,
        %swap3A_492 = vector.shape_cast %swap3A_491 : vector<1x16xf32> to vector<16xf32>
        %swap3A_493 = vector.shape_cast %get3A_488 : vector<16xf32> to vector<1x16xf32>
        tpu.vector_store %arg16[%swap3A_489, %swap3A_490], %swap3A_493 {add = true, strides = array<i32>} : memref<96x128xf32, #tpu.memory_space<vmem>>, vector<1x16xf32>,
        %get3A_494 = arith.index_cast %scan3A_439 : i32 to index
        %get3A_495 = arith.constant 96 : index
        %get3A_496 = tpu.vector_load %arg14[%get3A_494, %get3A_495] {strides = array<i32>} : memref<96x128xf32, #tpu.memory_space<vmem>>, vector<1x16xf32>,
        %get3A_497 = vector.shape_cast %get3A_496 : vector<1x16xf32> to vector<16xf32>
        %swap3A_498 = arith.index_cast %scan3A_439 : i32 to index
        %swap3A_499 = arith.constant 96 : index
        %swap3A_500 = tpu.vector_load %arg16[%swap3A_498, %swap3A_499] {strides = array<i32>} : memref<96x128xf32, #tpu.memory_space<vmem>>, vector<1x16xf32>,
        %swap3A_501 = vector.shape_cast %swap3A_500 : vector<1x16xf32> to vector<16xf32>
        %swap3A_502 = vector.shape_cast %get3A_497 : vector<16xf32> to vector<1x16xf32>
        tpu.vector_store %arg16[%swap3A_498, %swap3A_499], %swap3A_502 {add = true, strides = array<i32>} : memref<96x128xf32, #tpu.memory_space<vmem>>, vector<1x16xf32>,
        %get3A_503 = arith.index_cast %scan3A_439 : i32 to index
        %get3A_504 = arith.constant 112 : index
        %get3A_505 = tpu.vector_load %arg14[%get3A_503, %get3A_504] {strides = array<i32>} : memref<96x128xf32, #tpu.memory_space<vmem>>, vector<1x16xf32>,
        %get3A_506 = vector.shape_cast %get3A_505 : vector<1x16xf32> to vector<16xf32>
        %swap3A_507 = arith.index_cast %scan3A_439 : i32 to index
        %swap3A_508 = arith.constant 112 : index
        %swap3A_509 = tpu.vector_load %arg16[%swap3A_507, %swap3A_508] {strides = array<i32>} : memref<96x128xf32, #tpu.memory_space<vmem>>, vector<1x16xf32>,
        %swap3A_510 = vector.shape_cast %swap3A_509 : vector<1x16xf32> to vector<16xf32>
        %swap3A_511 = vector.shape_cast %get3A_506 : vector<16xf32> to vector<1x16xf32>
        tpu.vector_store %arg16[%swap3A_507, %swap3A_508], %swap3A_511 {add = true, strides = array<i32>} : memref<96x128xf32, #tpu.memory_space<vmem>>, vector<1x16xf32>,
      }
      %scan3A_379 = arith.constant 96 : i32
      %get3A_380 = arith.constant 0 : index
      %get3A_381 = tpu.vector_load %arg10[%get3A_380] {strides = array<i32>} : memref<96xi32, #tpu.memory_space<vmem>>, vector<16xi32>,
      %get3A_382 = vector.shape_cast %get3A_381 : vector<16xi32> to vector<16xi32>
      %swap3A_383 = arith.constant 0 : index
      %swap3A_384 = tpu.vector_load %arg12[%swap3A_383] {strides = array<i32>} : memref<96xi32, #tpu.memory_space<vmem>>, vector<16xi32>,
      %swap3A_385 = vector.shape_cast %swap3A_384 : vector<16xi32> to vector<16xi32>
      %swap3A_386 = vector.shape_cast %get3A_382 : vector<16xi32> to vector<16xi32>
      tpu.vector_store %arg12[%swap3A_383], %swap3A_386 {strides = array<i32>} : memref<96xi32, #tpu.memory_space<vmem>>, vector<16xi32>,
      %get3A_387 = arith.constant 16 : index
      %get3A_388 = tpu.vector_load %arg10[%get3A_387] {strides = array<i32>} : memref<96xi32, #tpu.memory_space<vmem>>, vector<16xi32>,
      %get3A_389 = vector.shape_cast %get3A_388 : vector<16xi32> to vector<16xi32>
      %swap3A_390 = arith.constant 16 : index
      %swap3A_391 = tpu.vector_load %arg12[%swap3A_390] {strides = array<i32>} : memref<96xi32, #tpu.memory_space<vmem>>, vector<16xi32>,
      %swap3A_392 = vector.shape_cast %swap3A_391 : vector<16xi32> to vector<16xi32>
      %swap3A_393 = vector.shape_cast %get3A_389 : vector<16xi32> to vector<16xi32>
      tpu.vector_store %arg12[%swap3A_390], %swap3A_393 {strides = array<i32>} : memref<96xi32, #tpu.memory_space<vmem>>, vector<16xi32>,
      %get3A_394 = arith.constant 32 : index
      %get3A_395 = tpu.vector_load %arg10[%get3A_394] {strides = array<i32>} : memref<96xi32, #tpu.memory_space<vmem>>, vector<16xi32>,
      %get3A_396 = vector.shape_cast %get3A_395 : vector<16xi32> to vector<16xi32>
      %swap3A_397 = arith.constant 32 : index
      %swap3A_398 = tpu.vector_load %arg12[%swap3A_397] {strides = array<i32>} : memref<96xi32, #tpu.memory_space<vmem>>, vector<16xi32>,
      %swap3A_399 = vector.shape_cast %swap3A_398 : vector<16xi32> to vector<16xi32>
      %swap3A_400 = vector.shape_cast %get3A_396 : vector<16xi32> to vector<16xi32>
      tpu.vector_store %arg12[%swap3A_397], %swap3A_400 {strides = array<i32>} : memref<96xi32, #tpu.memory_space<vmem>>, vector<16xi32>,
      %get3A_401 = arith.constant 48 : index
      %get3A_402 = tpu.vector_load %arg10[%get3A_401] {strides = array<i32>} : memref<96xi32, #tpu.memory_space<vmem>>, vector<16xi32>,
      %get3A_403 = vector.shape_cast %get3A_402 : vector<16xi32> to vector<16xi32>
      %swap3A_404 = arith.constant 48 : index
      %swap3A_405 = tpu.vector_load %arg12[%swap3A_404] {strides = array<i32>} : memref<96xi32, #tpu.memory_space<vmem>>, vector<16xi32>,
      %swap3A_406 = vector.shape_cast %swap3A_405 : vector<16xi32> to vector<16xi32>
      %swap3A_407 = vector.shape_cast %get3A_403 : vector<16xi32> to vector<16xi32>
      tpu.vector_store %arg12[%swap3A_404], %swap3A_407 {strides = array<i32>} : memref<96xi32, #tpu.memory_space<vmem>>, vector<16xi32>,
      %get3A_408 = arith.constant 64 : index
      %get3A_409 = tpu.vector_load %arg10[%get3A_408] {strides = array<i32>} : memref<96xi32, #tpu.memory_space<vmem>>, vector<16xi32>,
      %get3A_410 = vector.shape_cast %get3A_409 : vector<16xi32> to vector<16xi32>
      %swap3A_411 = arith.constant 64 : index
      %swap3A_412 = tpu.vector_load %arg12[%swap3A_411] {strides = array<i32>} : memref<96xi32, #tpu.memory_space<vmem>>, vector<16xi32>,
      %swap3A_413 = vector.shape_cast %swap3A_412 : vector<16xi32> to vector<16xi32>
      %swap3A_414 = vector.shape_cast %get3A_410 : vector<16xi32> to vector<16xi32>
      tpu.vector_store %arg12[%swap3A_411], %swap3A_414 {strides = array<i32>} : memref<96xi32, #tpu.memory_space<vmem>>, vector<16xi32>,
      %get3A_415 = arith.constant 80 : index
      %get3A_416 = tpu.vector_load %arg10[%get3A_415] {strides = array<i32>} : memref<96xi32, #tpu.memory_space<vmem>>, vector<16xi32>,
      %get3A_417 = vector.shape_cast %get3A_416 : vector<16xi32> to vector<16xi32>
      %swap3A_418 = arith.constant 80 : index
      %swap3A_419 = tpu.vector_load %arg12[%swap3A_418] {strides = array<i32>} : memref<96xi32, #tpu.memory_space<vmem>>, vector<16xi32>,
      %swap3A_420 = vector.shape_cast %swap3A_419 : vector<16xi32> to vector<16xi32>
      %swap3A_421 = vector.shape_cast %get3A_417 : vector<16xi32> to vector<16xi32>
      tpu.vector_store %arg12[%swap3A_418], %swap3A_421 {strides = array<i32>} : memref<96xi32, #tpu.memory_space<vmem>>, vector<16xi32>,
      %dma_start3A_422 = arith.constant 0 : i32
      %dma_start3A_423 = arith.constant 0 : i32
      %dma_start3A_424 = tpu.memref_slice %arg19[%dma_start3A_422, %dma_start3A_423] : memref<10000x128xf32, #tpu.memory_space<vmem_shared>> -> memref<10000x128xf32, #tpu.memory_space<vmem_shared>>
      tpu.enqueue_indirect_dma source(%arg16 : memref<96x128xf32, #tpu.memory_space<vmem>>) target(%dma_start3A_424 : memref<10000x128xf32, #tpu.memory_space<vmem_shared>>) offsets(%arg12 : memref<96xi32, #tpu.memory_space<vmem>>) semaphore(%arg27 : memref<!tpu.dma_semaphore, #tpu.memory_space<semaphore_mem>>) {add = true}
      %add3A_425 = arith.constant 1 : i32
      %add3A_426 = arith.addi %add3A_334, %add3A_425 : i32
      %mul3A_427 = arith.constant 96 : i32
      %mul3A_428 = arith.muli %add3A_426, %mul3A_427 : i32
      %add3A_429 = arith.addi %mul3A_5, %mul3A_428 : i32
      %multiple_of3A_430 = tpu.assume_multiple %add3A_429, 8 : i32
      %dma_start3A_431 = tpu.memref_slice %arg3[%multiple_of3A_430] : memref<320000xi32, #tpu.memory_space<hbm>> -> memref<96xi32, #tpu.memory_space<hbm>>
      %dma_start3A_432 = tpu.memref_slice %arg3[%multiple_of3A_430] : memref<320000xi32, #tpu.memory_space<hbm>> -> memref<96xi32, #tpu.memory_space<hbm>>
      tpu.enqueue_dma source(%dma_start3A_432 : memref<96xi32, #tpu.memory_space<hbm>>) target(%arg8 : memref<96xi32, #tpu.memory_space<vmem>>) target_semaphore(%arg21 : memref<!tpu.dma_semaphore, #tpu.memory_space<semaphore_mem>>)
      %mul3A_433 = arith.constant 96 : i32
      %mul3A_434 = arith.muli %add3A_426, %mul3A_433 : i32
      %add3A_435 = arith.addi %mul3A_5, %mul3A_434 : i32
      %multiple_of3A_436 = tpu.assume_multiple %add3A_435, 8 : i32
      %dma_start3A_437 = tpu.memref_slice %arg4[%multiple_of3A_436] : memref<320000xi32, #tpu.memory_space<hbm>> -> memref<96xi32, #tpu.memory_space<hbm>>
      %dma_start3A_438 = tpu.memref_slice %arg4[%multiple_of3A_436] : memref<320000xi32, #tpu.memory_space<hbm>> -> memref<96xi32, #tpu.memory_space<hbm>>
      tpu.enqueue_dma source(%dma_start3A_438 : memref<96xi32, #tpu.memory_space<hbm>>) target(%arg10 : memref<96xi32, #tpu.memory_space<vmem>>) target_semaphore(%arg21 : memref<!tpu.dma_semaphore, #tpu.memory_space<semaphore_mem>>)
    }
    %scan3A_35 = arith.constant 51 : i32
    %dma_wait3A = arith.constant 0 : i32
    %dma_wait3A_36 = arith.constant 0 : i32
    %dma_wait3A_37 = tpu.memref_slice %arg19[%dma_wait3A, %dma_wait3A_36] : memref<10000x128xf32, #tpu.memory_space<vmem_shared>> -> memref<10000x128xf32, #tpu.memory_space<vmem_shared>>
    tpu.wait_indirect_dma semaphore(%arg27 : memref<!tpu.dma_semaphore, #tpu.memory_space<semaphore_mem>>) src(%arg16 : memref<96x128xf32, #tpu.memory_space<vmem>>) dst(%dma_wait3A_37 : memref<10000x128xf32, #tpu.memory_space<vmem_shared>>)
    %add3A_38 = arith.constant 9888 : i32
    %add3A_39 = arith.addi %mul3A_5, %add3A_38 : i32
    %multiple_of3A_40 = tpu.assume_multiple %add3A_39, 8 : i32
    %dma_wait3A_41 = tpu.memref_slice %arg3[%multiple_of3A_40] : memref<320000xi32, #tpu.memory_space<hbm>> -> memref<96xi32, #tpu.memory_space<hbm>>
    %dma_wait3A_42 = tpu.memref_slice %arg3[%multiple_of3A_40] : memref<320000xi32, #tpu.memory_space<hbm>> -> memref<96xi32, #tpu.memory_space<hbm>>
    tpu.wait_dma2 semaphore(%arg21 : memref<!tpu.dma_semaphore, #tpu.memory_space<semaphore_mem>>) src(%dma_wait3A_42 : memref<96xi32, #tpu.memory_space<hbm>>) dst(%arg8 : memref<96xi32, #tpu.memory_space<vmem>>)
    %add3A_43 = arith.constant 9888 : i32
    %add3A_44 = arith.addi %mul3A_5, %add3A_43 : i32
    %multiple_of3A_45 = tpu.assume_multiple %add3A_44, 8 : i32
    %dma_wait3A_46 = tpu.memref_slice %arg4[%multiple_of3A_45] : memref<320000xi32, #tpu.memory_space<hbm>> -> memref<96xi32, #tpu.memory_space<hbm>>
    %dma_wait3A_47 = tpu.memref_slice %arg4[%multiple_of3A_45] : memref<320000xi32, #tpu.memory_space<hbm>> -> memref<96xi32, #tpu.memory_space<hbm>>
    tpu.wait_dma2 semaphore(%arg21 : memref<!tpu.dma_semaphore, #tpu.memory_space<semaphore_mem>>) src(%dma_wait3A_47 : memref<96xi32, #tpu.memory_space<hbm>>) dst(%arg10 : memref<96xi32, #tpu.memory_space<vmem>>)
    %dma_start3A_48 = arith.constant 0 : i32
    %dma_start3A_49 = arith.constant 0 : i32
    %dma_start3A_50 = tpu.memref_slice %arg2[%dma_start3A_48, %dma_start3A_49] : memref<10000x128xf32, #tpu.memory_space<hbm>> -> memref<10000x128xf32, #tpu.memory_space<hbm>>
    tpu.enqueue_indirect_dma source(%dma_start3A_50 : memref<10000x128xf32, #tpu.memory_space<hbm>>) target(%arg14 : memref<96x128xf32, #tpu.memory_space<vmem>>) offsets(%arg8 : memref<96xi32, #tpu.memory_space<vmem>>) semaphore(%arg23 : memref<!tpu.dma_semaphore, #tpu.memory_space<semaphore_mem>>)
    %add3A_51 = arith.constant 9888 : i32
    %add3A_52 = arith.addi %mul3A_5, %add3A_51 : i32
    %multiple_of3A_53 = tpu.assume_multiple %add3A_52, 8 : i32
    %dma_start3A_54 = arith.constant 0 : i32
    %dma_start3A_55 = tpu.memref_slice %arg5[%multiple_of3A_53, %dma_start3A_54] : memref<320000x128xf32, #tpu.memory_space<hbm>> -> memref<96x128xf32, #tpu.memory_space<hbm>>
    %dma_start3A_56 = arith.constant 0 : i32
    %dma_start3A_57 = tpu.memref_slice %arg5[%multiple_of3A_53, %dma_start3A_56] : memref<320000x128xf32, #tpu.memory_space<hbm>> -> memref<96x128xf32, #tpu.memory_space<hbm>>
    tpu.enqueue_dma source(%dma_start3A_57 : memref<96x128xf32, #tpu.memory_space<hbm>>) target(%arg16 : memref<96x128xf32, #tpu.memory_space<vmem>>) target_semaphore(%arg25 : memref<!tpu.dma_semaphore, #tpu.memory_space<semaphore_mem>>)
    %dma_wait3A_58 = arith.constant 0 : i32
    %dma_wait3A_59 = arith.constant 0 : i32
    %dma_wait3A_60 = tpu.memref_slice %arg2[%dma_wait3A_58, %dma_wait3A_59] : memref<10000x128xf32, #tpu.memory_space<hbm>> -> memref<10000x128xf32, #tpu.memory_space<hbm>>
    tpu.wait_indirect_dma semaphore(%arg22 : memref<!tpu.dma_semaphore, #tpu.memory_space<semaphore_mem>>) src(%dma_wait3A_60 : memref<10000x128xf32, #tpu.memory_space<hbm>>) dst(%arg13 : memref<96x128xf32, #tpu.memory_space<vmem>>)
    %add3A_61 = arith.constant 9792 : i32
    %add3A_62 = arith.addi %mul3A_5, %add3A_61 : i32
    %multiple_of3A_63 = tpu.assume_multiple %add3A_62, 8 : i32
    %dma_wait3A_64 = arith.constant 0 : i32
    %dma_wait3A_65 = tpu.memref_slice %arg5[%multiple_of3A_63, %dma_wait3A_64] : memref<320000x128xf32, #tpu.memory_space<hbm>> -> memref<96x128xf32, #tpu.memory_space<hbm>>
    %dma_wait3A_66 = arith.constant 0 : i32
    %dma_wait3A_67 = tpu.memref_slice %arg5[%multiple_of3A_63, %dma_wait3A_66] : memref<320000x128xf32, #tpu.memory_space<hbm>> -> memref<96x128xf32, #tpu.memory_space<hbm>>
    tpu.wait_dma2 semaphore(%arg24 : memref<!tpu.dma_semaphore, #tpu.memory_space<semaphore_mem>>) src(%dma_wait3A_67 : memref<96x128xf32, #tpu.memory_space<hbm>>) dst(%arg15 : memref<96x128xf32, #tpu.memory_space<vmem>>)
    %scan3A_68 = arith.constant 0 : i32
    %scan3A_69 = arith.constant 0 : i32
    %scan3A_70 = arith.constant 96 : i32
    %scan3A_71 = arith.addi %scan3A_69, %scan3A_70 : i32
    %scan3A_72 = arith.constant 1 : i32
    scf.for %scan3A_226 = %scan3A_69 to %scan3A_71 step %scan3A_72  : i32 {
      %get3A_227 = arith.index_cast %scan3A_226 : i32 to index
      %get3A_228 = arith.constant 0 : index
      %get3A_229 = tpu.vector_load %arg13[%get3A_227, %get3A_228] {strides = array<i32>} : memref<96x128xf32, #tpu.memory_space<vmem>>, vector<1x16xf32>,
      %get3A_230 = vector.shape_cast %get3A_229 : vector<1x16xf32> to vector<16xf32>
      %swap3A_231 = arith.index_cast %scan3A_226 : i32 to index
      %swap3A_232 = arith.constant 0 : index
      %swap3A_233 = tpu.vector_load %arg15[%swap3A_231, %swap3A_232] {strides = array<i32>} : memref<96x128xf32, #tpu.memory_space<vmem>>, vector<1x16xf32>,
      %swap3A_234 = vector.shape_cast %swap3A_233 : vector<1x16xf32> to vector<16xf32>
      %swap3A_235 = vector.shape_cast %get3A_230 : vector<16xf32> to vector<1x16xf32>
      tpu.vector_store %arg15[%swap3A_231, %swap3A_232], %swap3A_235 {add = true, strides = array<i32>} : memref<96x128xf32, #tpu.memory_space<vmem>>, vector<1x16xf32>,
      %get3A_236 = arith.index_cast %scan3A_226 : i32 to index
      %get3A_237 = arith.constant 16 : index
      %get3A_238 = tpu.vector_load %arg13[%get3A_236, %get3A_237] {strides = array<i32>} : memref<96x128xf32, #tpu.memory_space<vmem>>, vector<1x16xf32>,
      %get3A_239 = vector.shape_cast %get3A_238 : vector<1x16xf32> to vector<16xf32>
      %swap3A_240 = arith.index_cast %scan3A_226 : i32 to index
      %swap3A_241 = arith.constant 16 : index
      %swap3A_242 = tpu.vector_load %arg15[%swap3A_240, %swap3A_241] {strides = array<i32>} : memref<96x128xf32, #tpu.memory_space<vmem>>, vector<1x16xf32>,
      %swap3A_243 = vector.shape_cast %swap3A_242 : vector<1x16xf32> to vector<16xf32>
      %swap3A_244 = vector.shape_cast %get3A_239 : vector<16xf32> to vector<1x16xf32>
      tpu.vector_store %arg15[%swap3A_240, %swap3A_241], %swap3A_244 {add = true, strides = array<i32>} : memref<96x128xf32, #tpu.memory_space<vmem>>, vector<1x16xf32>,
      %get3A_245 = arith.index_cast %scan3A_226 : i32 to index
      %get3A_246 = arith.constant 32 : index
      %get3A_247 = tpu.vector_load %arg13[%get3A_245, %get3A_246] {strides = array<i32>} : memref<96x128xf32, #tpu.memory_space<vmem>>, vector<1x16xf32>,
      %get3A_248 = vector.shape_cast %get3A_247 : vector<1x16xf32> to vector<16xf32>
      %swap3A_249 = arith.index_cast %scan3A_226 : i32 to index
      %swap3A_250 = arith.constant 32 : index
      %swap3A_251 = tpu.vector_load %arg15[%swap3A_249, %swap3A_250] {strides = array<i32>} : memref<96x128xf32, #tpu.memory_space<vmem>>, vector<1x16xf32>,
      %swap3A_252 = vector.shape_cast %swap3A_251 : vector<1x16xf32> to vector<16xf32>
      %swap3A_253 = vector.shape_cast %get3A_248 : vector<16xf32> to vector<1x16xf32>
      tpu.vector_store %arg15[%swap3A_249, %swap3A_250], %swap3A_253 {add = true, strides = array<i32>} : memref<96x128xf32, #tpu.memory_space<vmem>>, vector<1x16xf32>,
      %get3A_254 = arith.index_cast %scan3A_226 : i32 to index
      %get3A_255 = arith.constant 48 : index
      %get3A_256 = tpu.vector_load %arg13[%get3A_254, %get3A_255] {strides = array<i32>} : memref<96x128xf32, #tpu.memory_space<vmem>>, vector<1x16xf32>,
      %get3A_257 = vector.shape_cast %get3A_256 : vector<1x16xf32> to vector<16xf32>
      %swap3A_258 = arith.index_cast %scan3A_226 : i32 to index
      %swap3A_259 = arith.constant 48 : index
      %swap3A_260 = tpu.vector_load %arg15[%swap3A_258, %swap3A_259] {strides = array<i32>} : memref<96x128xf32, #tpu.memory_space<vmem>>, vector<1x16xf32>,
      %swap3A_261 = vector.shape_cast %swap3A_260 : vector<1x16xf32> to vector<16xf32>
      %swap3A_262 = vector.shape_cast %get3A_257 : vector<16xf32> to vector<1x16xf32>
      tpu.vector_store %arg15[%swap3A_258, %swap3A_259], %swap3A_262 {add = true, strides = array<i32>} : memref<96x128xf32, #tpu.memory_space<vmem>>, vector<1x16xf32>,
      %get3A_263 = arith.index_cast %scan3A_226 : i32 to index
      %get3A_264 = arith.constant 64 : index
      %get3A_265 = tpu.vector_load %arg13[%get3A_263, %get3A_264] {strides = array<i32>} : memref<96x128xf32, #tpu.memory_space<vmem>>, vector<1x16xf32>,
      %get3A_266 = vector.shape_cast %get3A_265 : vector<1x16xf32> to vector<16xf32>
      %swap3A_267 = arith.index_cast %scan3A_226 : i32 to index
      %swap3A_268 = arith.constant 64 : index
      %swap3A_269 = tpu.vector_load %arg15[%swap3A_267, %swap3A_268] {strides = array<i32>} : memref<96x128xf32, #tpu.memory_space<vmem>>, vector<1x16xf32>,
      %swap3A_270 = vector.shape_cast %swap3A_269 : vector<1x16xf32> to vector<16xf32>
      %swap3A_271 = vector.shape_cast %get3A_266 : vector<16xf32> to vector<1x16xf32>
      tpu.vector_store %arg15[%swap3A_267, %swap3A_268], %swap3A_271 {add = true, strides = array<i32>} : memref<96x128xf32, #tpu.memory_space<vmem>>, vector<1x16xf32>,
      %get3A_272 = arith.index_cast %scan3A_226 : i32 to index
      %get3A_273 = arith.constant 80 : index
      %get3A_274 = tpu.vector_load %arg13[%get3A_272, %get3A_273] {strides = array<i32>} : memref<96x128xf32, #tpu.memory_space<vmem>>, vector<1x16xf32>,
      %get3A_275 = vector.shape_cast %get3A_274 : vector<1x16xf32> to vector<16xf32>
      %swap3A_276 = arith.index_cast %scan3A_226 : i32 to index
      %swap3A_277 = arith.constant 80 : index
      %swap3A_278 = tpu.vector_load %arg15[%swap3A_276, %swap3A_277] {strides = array<i32>} : memref<96x128xf32, #tpu.memory_space<vmem>>, vector<1x16xf32>,
      %swap3A_279 = vector.shape_cast %swap3A_278 : vector<1x16xf32> to vector<16xf32>
      %swap3A_280 = vector.shape_cast %get3A_275 : vector<16xf32> to vector<1x16xf32>
      tpu.vector_store %arg15[%swap3A_276, %swap3A_277], %swap3A_280 {add = true, strides = array<i32>} : memref<96x128xf32, #tpu.memory_space<vmem>>, vector<1x16xf32>,
      %get3A_281 = arith.index_cast %scan3A_226 : i32 to index
      %get3A_282 = arith.constant 96 : index
      %get3A_283 = tpu.vector_load %arg13[%get3A_281, %get3A_282] {strides = array<i32>} : memref<96x128xf32, #tpu.memory_space<vmem>>, vector<1x16xf32>,
      %get3A_284 = vector.shape_cast %get3A_283 : vector<1x16xf32> to vector<16xf32>
      %swap3A_285 = arith.index_cast %scan3A_226 : i32 to index
      %swap3A_286 = arith.constant 96 : index
      %swap3A_287 = tpu.vector_load %arg15[%swap3A_285, %swap3A_286] {strides = array<i32>} : memref<96x128xf32, #tpu.memory_space<vmem>>, vector<1x16xf32>,
      %swap3A_288 = vector.shape_cast %swap3A_287 : vector<1x16xf32> to vector<16xf32>
      %swap3A_289 = vector.shape_cast %get3A_284 : vector<16xf32> to vector<1x16xf32>
      tpu.vector_store %arg15[%swap3A_285, %swap3A_286], %swap3A_289 {add = true, strides = array<i32>} : memref<96x128xf32, #tpu.memory_space<vmem>>, vector<1x16xf32>,
      %get3A_290 = arith.index_cast %scan3A_226 : i32 to index
      %get3A_291 = arith.constant 112 : index
      %get3A_292 = tpu.vector_load %arg13[%get3A_290, %get3A_291] {strides = array<i32>} : memref<96x128xf32, #tpu.memory_space<vmem>>, vector<1x16xf32>,
      %get3A_293 = vector.shape_cast %get3A_292 : vector<1x16xf32> to vector<16xf32>
      %swap3A_294 = arith.index_cast %scan3A_226 : i32 to index
      %swap3A_295 = arith.constant 112 : index
      %swap3A_296 = tpu.vector_load %arg15[%swap3A_294, %swap3A_295] {strides = array<i32>} : memref<96x128xf32, #tpu.memory_space<vmem>>, vector<1x16xf32>,
      %swap3A_297 = vector.shape_cast %swap3A_296 : vector<1x16xf32> to vector<16xf32>
      %swap3A_298 = vector.shape_cast %get3A_293 : vector<16xf32> to vector<1x16xf32>
      tpu.vector_store %arg15[%swap3A_294, %swap3A_295], %swap3A_298 {add = true, strides = array<i32>} : memref<96x128xf32, #tpu.memory_space<vmem>>, vector<1x16xf32>,
    }
    %scan3A_73 = arith.constant 96 : i32
    %get3A = arith.constant 0 : index
    %get3A_74 = tpu.vector_load %arg9[%get3A] {strides = array<i32>} : memref<96xi32, #tpu.memory_space<vmem>>, vector<16xi32>,
    %get3A_75 = vector.shape_cast %get3A_74 : vector<16xi32> to vector<16xi32>
    %swap3A = arith.constant 0 : index
    %swap3A_76 = tpu.vector_load %arg11[%swap3A] {strides = array<i32>} : memref<96xi32, #tpu.memory_space<vmem>>, vector<16xi32>,
    %swap3A_77 = vector.shape_cast %swap3A_76 : vector<16xi32> to vector<16xi32>
    %swap3A_78 = vector.shape_cast %get3A_75 : vector<16xi32> to vector<16xi32>
    tpu.vector_store %arg11[%swap3A], %swap3A_78 {strides = array<i32>} : memref<96xi32, #tpu.memory_space<vmem>>, vector<16xi32>,
    %get3A_79 = arith.constant 16 : index
    %get3A_80 = tpu.vector_load %arg9[%get3A_79] {strides = array<i32>} : memref<96xi32, #tpu.memory_space<vmem>>, vector<16xi32>,
    %get3A_81 = vector.shape_cast %get3A_80 : vector<16xi32> to vector<16xi32>
    %swap3A_82 = arith.constant 16 : index
    %swap3A_83 = tpu.vector_load %arg11[%swap3A_82] {strides = array<i32>} : memref<96xi32, #tpu.memory_space<vmem>>, vector<16xi32>,
    %swap3A_84 = vector.shape_cast %swap3A_83 : vector<16xi32> to vector<16xi32>
    %swap3A_85 = vector.shape_cast %get3A_81 : vector<16xi32> to vector<16xi32>
    tpu.vector_store %arg11[%swap3A_82], %swap3A_85 {strides = array<i32>} : memref<96xi32, #tpu.memory_space<vmem>>, vector<16xi32>,
    %get3A_86 = arith.constant 32 : index
    %get3A_87 = tpu.vector_load %arg9[%get3A_86] {strides = array<i32>} : memref<96xi32, #tpu.memory_space<vmem>>, vector<16xi32>,
    %get3A_88 = vector.shape_cast %get3A_87 : vector<16xi32> to vector<16xi32>
    %swap3A_89 = arith.constant 32 : index
    %swap3A_90 = tpu.vector_load %arg11[%swap3A_89] {strides = array<i32>} : memref<96xi32, #tpu.memory_space<vmem>>, vector<16xi32>,
    %swap3A_91 = vector.shape_cast %swap3A_90 : vector<16xi32> to vector<16xi32>
    %swap3A_92 = vector.shape_cast %get3A_88 : vector<16xi32> to vector<16xi32>
    tpu.vector_store %arg11[%swap3A_89], %swap3A_92 {strides = array<i32>} : memref<96xi32, #tpu.memory_space<vmem>>, vector<16xi32>,
    %get3A_93 = arith.constant 48 : index
    %get3A_94 = tpu.vector_load %arg9[%get3A_93] {strides = array<i32>} : memref<96xi32, #tpu.memory_space<vmem>>, vector<16xi32>,
    %get3A_95 = vector.shape_cast %get3A_94 : vector<16xi32> to vector<16xi32>
    %swap3A_96 = arith.constant 48 : index
    %swap3A_97 = tpu.vector_load %arg11[%swap3A_96] {strides = array<i32>} : memref<96xi32, #tpu.memory_space<vmem>>, vector<16xi32>,
    %swap3A_98 = vector.shape_cast %swap3A_97 : vector<16xi32> to vector<16xi32>
    %swap3A_99 = vector.shape_cast %get3A_95 : vector<16xi32> to vector<16xi32>
    tpu.vector_store %arg11[%swap3A_96], %swap3A_99 {strides = array<i32>} : memref<96xi32, #tpu.memory_space<vmem>>, vector<16xi32>,
    %get3A_100 = arith.constant 64 : index
    %get3A_101 = tpu.vector_load %arg9[%get3A_100] {strides = array<i32>} : memref<96xi32, #tpu.memory_space<vmem>>, vector<16xi32>,
    %get3A_102 = vector.shape_cast %get3A_101 : vector<16xi32> to vector<16xi32>
    %swap3A_103 = arith.constant 64 : index
    %swap3A_104 = tpu.vector_load %arg11[%swap3A_103] {strides = array<i32>} : memref<96xi32, #tpu.memory_space<vmem>>, vector<16xi32>,
    %swap3A_105 = vector.shape_cast %swap3A_104 : vector<16xi32> to vector<16xi32>
    %swap3A_106 = vector.shape_cast %get3A_102 : vector<16xi32> to vector<16xi32>
    tpu.vector_store %arg11[%swap3A_103], %swap3A_106 {strides = array<i32>} : memref<96xi32, #tpu.memory_space<vmem>>, vector<16xi32>,
    %get3A_107 = arith.constant 80 : index
    %get3A_108 = tpu.vector_load %arg9[%get3A_107] {strides = array<i32>} : memref<96xi32, #tpu.memory_space<vmem>>, vector<16xi32>,
    %get3A_109 = vector.shape_cast %get3A_108 : vector<16xi32> to vector<16xi32>
    %swap3A_110 = arith.constant 80 : index
    %swap3A_111 = tpu.vector_load %arg11[%swap3A_110] {strides = array<i32>} : memref<96xi32, #tpu.memory_space<vmem>>, vector<16xi32>,
    %swap3A_112 = vector.shape_cast %swap3A_111 : vector<16xi32> to vector<16xi32>
    %swap3A_113 = vector.shape_cast %get3A_109 : vector<16xi32> to vector<16xi32>
    tpu.vector_store %arg11[%swap3A_110], %swap3A_113 {strides = array<i32>} : memref<96xi32, #tpu.memory_space<vmem>>, vector<16xi32>,
    %dma_start3A_114 = arith.constant 0 : i32
    %dma_start3A_115 = arith.constant 0 : i32
    %dma_start3A_116 = tpu.memref_slice %arg19[%dma_start3A_114, %dma_start3A_115] : memref<10000x128xf32, #tpu.memory_space<vmem_shared>> -> memref<10000x128xf32, #tpu.memory_space<vmem_shared>>
    tpu.enqueue_indirect_dma source(%arg15 : memref<96x128xf32, #tpu.memory_space<vmem>>) target(%dma_start3A_116 : memref<10000x128xf32, #tpu.memory_space<vmem_shared>>) offsets(%arg11 : memref<96xi32, #tpu.memory_space<vmem>>) semaphore(%arg26 : memref<!tpu.dma_semaphore, #tpu.memory_space<semaphore_mem>>) {add = true}
    %dma_wait3A_117 = arith.constant 0 : i32
    %dma_wait3A_118 = arith.constant 0 : i32
    %dma_wait3A_119 = tpu.memref_slice %arg2[%dma_wait3A_117, %dma_wait3A_118] : memref<10000x128xf32, #tpu.memory_space<hbm>> -> memref<10000x128xf32, #tpu.memory_space<hbm>>
    tpu.wait_indirect_dma semaphore(%arg23 : memref<!tpu.dma_semaphore, #tpu.memory_space<semaphore_mem>>) src(%dma_wait3A_119 : memref<10000x128xf32, #tpu.memory_space<hbm>>) dst(%arg14 : memref<96x128xf32, #tpu.memory_space<vmem>>)
    %add3A_120 = arith.constant 9888 : i32
    %add3A_121 = arith.addi %mul3A_5, %add3A_120 : i32
    %multiple_of3A_122 = tpu.assume_multiple %add3A_121, 8 : i32
    %dma_wait3A_123 = arith.constant 0 : i32
    %dma_wait3A_124 = tpu.memref_slice %arg5[%multiple_of3A_122, %dma_wait3A_123] : memref<320000x128xf32, #tpu.memory_space<hbm>> -> memref<96x128xf32, #tpu.memory_space<hbm>>
    %dma_wait3A_125 = arith.constant 0 : i32
    %dma_wait3A_126 = tpu.memref_slice %arg5[%multiple_of3A_122, %dma_wait3A_125] : memref<320000x128xf32, #tpu.memory_space<hbm>> -> memref<96x128xf32, #tpu.memory_space<hbm>>
    tpu.wait_dma2 semaphore(%arg25 : memref<!tpu.dma_semaphore, #tpu.memory_space<semaphore_mem>>) src(%dma_wait3A_126 : memref<96x128xf32, #tpu.memory_space<hbm>>) dst(%arg16 : memref<96x128xf32, #tpu.memory_space<vmem>>)
    %scan3A_127 = arith.constant 0 : i32
    %scan3A_128 = arith.constant 0 : i32
    %scan3A_129 = arith.constant 96 : i32
    %scan3A_130 = arith.addi %scan3A_128, %scan3A_129 : i32
    %scan3A_131 = arith.constant 1 : i32
    scf.for %scan3A_226 = %scan3A_128 to %scan3A_130 step %scan3A_131  : i32 {
      %get3A_227 = arith.index_cast %scan3A_226 : i32 to index
      %get3A_228 = arith.constant 0 : index
      %get3A_229 = tpu.vector_load %arg14[%get3A_227, %get3A_228] {strides = array<i32>} : memref<96x128xf32, #tpu.memory_space<vmem>>, vector<1x16xf32>,
      %get3A_230 = vector.shape_cast %get3A_229 : vector<1x16xf32> to vector<16xf32>
      %swap3A_231 = arith.index_cast %scan3A_226 : i32 to index
      %swap3A_232 = arith.constant 0 : index
      %swap3A_233 = tpu.vector_load %arg16[%swap3A_231, %swap3A_232] {strides = array<i32>} : memref<96x128xf32, #tpu.memory_space<vmem>>, vector<1x16xf32>,
      %swap3A_234 = vector.shape_cast %swap3A_233 : vector<1x16xf32> to vector<16xf32>
      %swap3A_235 = vector.shape_cast %get3A_230 : vector<16xf32> to vector<1x16xf32>
      tpu.vector_store %arg16[%swap3A_231, %swap3A_232], %swap3A_235 {add = true, strides = array<i32>} : memref<96x128xf32, #tpu.memory_space<vmem>>, vector<1x16xf32>,
      %get3A_236 = arith.index_cast %scan3A_226 : i32 to index
      %get3A_237 = arith.constant 16 : index
      %get3A_238 = tpu.vector_load %arg14[%get3A_236, %get3A_237] {strides = array<i32>} : memref<96x128xf32, #tpu.memory_space<vmem>>, vector<1x16xf32>,
      %get3A_239 = vector.shape_cast %get3A_238 : vector<1x16xf32> to vector<16xf32>
      %swap3A_240 = arith.index_cast %scan3A_226 : i32 to index
      %swap3A_241 = arith.constant 16 : index
      %swap3A_242 = tpu.vector_load %arg16[%swap3A_240, %swap3A_241] {strides = array<i32>} : memref<96x128xf32, #tpu.memory_space<vmem>>, vector<1x16xf32>,
      %swap3A_243 = vector.shape_cast %swap3A_242 : vector<1x16xf32> to vector<16xf32>
      %swap3A_244 = vector.shape_cast %get3A_239 : vector<16xf32> to vector<1x16xf32>
      tpu.vector_store %arg16[%swap3A_240, %swap3A_241], %swap3A_244 {add = true, strides = array<i32>} : memref<96x128xf32, #tpu.memory_space<vmem>>, vector<1x16xf32>,
      %get3A_245 = arith.index_cast %scan3A_226 : i32 to index
      %get3A_246 = arith.constant 32 : index
      %get3A_247 = tpu.vector_load %arg14[%get3A_245, %get3A_246] {strides = array<i32>} : memref<96x128xf32, #tpu.memory_space<vmem>>, vector<1x16xf32>,
      %get3A_248 = vector.shape_cast %get3A_247 : vector<1x16xf32> to vector<16xf32>
      %swap3A_249 = arith.index_cast %scan3A_226 : i32 to index
      %swap3A_250 = arith.constant 32 : index
      %swap3A_251 = tpu.vector_load %arg16[%swap3A_249, %swap3A_250] {strides = array<i32>} : memref<96x128xf32, #tpu.memory_space<vmem>>, vector<1x16xf32>,
      %swap3A_252 = vector.shape_cast %swap3A_251 : vector<1x16xf32> to vector<16xf32>
      %swap3A_253 = vector.shape_cast %get3A_248 : vector<16xf32> to vector<1x16xf32>
      tpu.vector_store %arg16[%swap3A_249, %swap3A_250], %swap3A_253 {add = true, strides = array<i32>} : memref<96x128xf32, #tpu.memory_space<vmem>>, vector<1x16xf32>,
      %get3A_254 = arith.index_cast %scan3A_226 : i32 to index
      %get3A_255 = arith.constant 48 : index
      %get3A_256 = tpu.vector_load %arg14[%get3A_254, %get3A_255] {strides = array<i32>} : memref<96x128xf32, #tpu.memory_space<vmem>>, vector<1x16xf32>,
      %get3A_257 = vector.shape_cast %get3A_256 : vector<1x16xf32> to vector<16xf32>
      %swap3A_258 = arith.index_cast %scan3A_226 : i32 to index
      %swap3A_259 = arith.constant 48 : index
      %swap3A_260 = tpu.vector_load %arg16[%swap3A_258, %swap3A_259] {strides = array<i32>} : memref<96x128xf32, #tpu.memory_space<vmem>>, vector<1x16xf32>,
      %swap3A_261 = vector.shape_cast %swap3A_260 : vector<1x16xf32> to vector<16xf32>
      %swap3A_262 = vector.shape_cast %get3A_257 : vector<16xf32> to vector<1x16xf32>
      tpu.vector_store %arg16[%swap3A_258, %swap3A_259], %swap3A_262 {add = true, strides = array<i32>} : memref<96x128xf32, #tpu.memory_space<vmem>>, vector<1x16xf32>,
      %get3A_263 = arith.index_cast %scan3A_226 : i32 to index
      %get3A_264 = arith.constant 64 : index
      %get3A_265 = tpu.vector_load %arg14[%get3A_263, %get3A_264] {strides = array<i32>} : memref<96x128xf32, #tpu.memory_space<vmem>>, vector<1x16xf32>,
      %get3A_266 = vector.shape_cast %get3A_265 : vector<1x16xf32> to vector<16xf32>
      %swap3A_267 = arith.index_cast %scan3A_226 : i32 to index
      %swap3A_268 = arith.constant 64 : index
      %swap3A_269 = tpu.vector_load %arg16[%swap3A_267, %swap3A_268] {strides = array<i32>} : memref<96x128xf32, #tpu.memory_space<vmem>>, vector<1x16xf32>,
      %swap3A_270 = vector.shape_cast %swap3A_269 : vector<1x16xf32> to vector<16xf32>
      %swap3A_271 = vector.shape_cast %get3A_266 : vector<16xf32> to vector<1x16xf32>
      tpu.vector_store %arg16[%swap3A_267, %swap3A_268], %swap3A_271 {add = true, strides = array<i32>} : memref<96x128xf32, #tpu.memory_space<vmem>>, vector<1x16xf32>,
      %get3A_272 = arith.index_cast %scan3A_226 : i32 to index
      %get3A_273 = arith.constant 80 : index
      %get3A_274 = tpu.vector_load %arg14[%get3A_272, %get3A_273] {strides = array<i32>} : memref<96x128xf32, #tpu.memory_space<vmem>>, vector<1x16xf32>,
      %get3A_275 = vector.shape_cast %get3A_274 : vector<1x16xf32> to vector<16xf32>
      %swap3A_276 = arith.index_cast %scan3A_226 : i32 to index
      %swap3A_277 = arith.constant 80 : index
      %swap3A_278 = tpu.vector_load %arg16[%swap3A_276, %swap3A_277] {strides = array<i32>} : memref<96x128xf32, #tpu.memory_space<vmem>>, vector<1x16xf32>,
      %swap3A_279 = vector.shape_cast %swap3A_278 : vector<1x16xf32> to vector<16xf32>
      %swap3A_280 = vector.shape_cast %get3A_275 : vector<16xf32> to vector<1x16xf32>
      tpu.vector_store %arg16[%swap3A_276, %swap3A_277], %swap3A_280 {add = true, strides = array<i32>} : memref<96x128xf32, #tpu.memory_space<vmem>>, vector<1x16xf32>,
      %get3A_281 = arith.index_cast %scan3A_226 : i32 to index
      %get3A_282 = arith.constant 96 : index
      %get3A_283 = tpu.vector_load %arg14[%get3A_281, %get3A_282] {strides = array<i32>} : memref<96x128xf32, #tpu.memory_space<vmem>>, vector<1x16xf32>,
      %get3A_284 = vector.shape_cast %get3A_283 : vector<1x16xf32> to vector<16xf32>
      %swap3A_285 = arith.index_cast %scan3A_226 : i32 to index
      %swap3A_286 = arith.constant 96 : index
      %swap3A_287 = tpu.vector_load %arg16[%swap3A_285, %swap3A_286] {strides = array<i32>} : memref<96x128xf32, #tpu.memory_space<vmem>>, vector<1x16xf32>,
      %swap3A_288 = vector.shape_cast %swap3A_287 : vector<1x16xf32> to vector<16xf32>
      %swap3A_289 = vector.shape_cast %get3A_284 : vector<16xf32> to vector<1x16xf32>
      tpu.vector_store %arg16[%swap3A_285, %swap3A_286], %swap3A_289 {add = true, strides = array<i32>} : memref<96x128xf32, #tpu.memory_space<vmem>>, vector<1x16xf32>,
      %get3A_290 = arith.index_cast %scan3A_226 : i32 to index
      %get3A_291 = arith.constant 112 : index
      %get3A_292 = tpu.vector_load %arg14[%get3A_290, %get3A_291] {strides = array<i32>} : memref<96x128xf32, #tpu.memory_space<vmem>>, vector<1x16xf32>,
      %get3A_293 = vector.shape_cast %get3A_292 : vector<1x16xf32> to vector<16xf32>
      %swap3A_294 = arith.index_cast %scan3A_226 : i32 to index
      %swap3A_295 = arith.constant 112 : index
      %swap3A_296 = tpu.vector_load %arg16[%swap3A_294, %swap3A_295] {strides = array<i32>} : memref<96x128xf32, #tpu.memory_space<vmem>>, vector<1x16xf32>,
      %swap3A_297 = vector.shape_cast %swap3A_296 : vector<1x16xf32> to vector<16xf32>
      %swap3A_298 = vector.shape_cast %get3A_293 : vector<16xf32> to vector<1x16xf32>
      tpu.vector_store %arg16[%swap3A_294, %swap3A_295], %swap3A_298 {add = true, strides = array<i32>} : memref<96x128xf32, #tpu.memory_space<vmem>>, vector<1x16xf32>,
    }
    %scan3A_132 = arith.constant 96 : i32
    %get3A_133 = arith.constant 0 : index
    %get3A_134 = tpu.vector_load %arg10[%get3A_133] {strides = array<i32>} : memref<96xi32, #tpu.memory_space<vmem>>, vector<16xi32>,
    %get3A_135 = vector.shape_cast %get3A_134 : vector<16xi32> to vector<16xi32>
    %swap3A_136 = arith.constant 0 : index
    %swap3A_137 = tpu.vector_load %arg12[%swap3A_136] {strides = array<i32>} : memref<96xi32, #tpu.memory_space<vmem>>, vector<16xi32>,
    %swap3A_138 = vector.shape_cast %swap3A_137 : vector<16xi32> to vector<16xi32>
    %swap3A_139 = vector.shape_cast %get3A_135 : vector<16xi32> to vector<16xi32>
    tpu.vector_store %arg12[%swap3A_136], %swap3A_139 {strides = array<i32>} : memref<96xi32, #tpu.memory_space<vmem>>, vector<16xi32>,
    %get3A_140 = arith.constant 16 : index
    %get3A_141 = tpu.vector_load %arg10[%get3A_140] {strides = array<i32>} : memref<96xi32, #tpu.memory_space<vmem>>, vector<16xi32>,
    %get3A_142 = vector.shape_cast %get3A_141 : vector<16xi32> to vector<16xi32>
    %swap3A_143 = arith.constant 16 : index
    %swap3A_144 = tpu.vector_load %arg12[%swap3A_143] {strides = array<i32>} : memref<96xi32, #tpu.memory_space<vmem>>, vector<16xi32>,
    %swap3A_145 = vector.shape_cast %swap3A_144 : vector<16xi32> to vector<16xi32>
    %swap3A_146 = vector.shape_cast %get3A_142 : vector<16xi32> to vector<16xi32>
    tpu.vector_store %arg12[%swap3A_143], %swap3A_146 {strides = array<i32>} : memref<96xi32, #tpu.memory_space<vmem>>, vector<16xi32>,
    %get3A_147 = arith.constant 32 : index
    %get3A_148 = tpu.vector_load %arg10[%get3A_147] {strides = array<i32>} : memref<96xi32, #tpu.memory_space<vmem>>, vector<16xi32>,
    %get3A_149 = vector.shape_cast %get3A_148 : vector<16xi32> to vector<16xi32>
    %swap3A_150 = arith.constant 32 : index
    %swap3A_151 = tpu.vector_load %arg12[%swap3A_150] {strides = array<i32>} : memref<96xi32, #tpu.memory_space<vmem>>, vector<16xi32>,
    %swap3A_152 = vector.shape_cast %swap3A_151 : vector<16xi32> to vector<16xi32>
    %swap3A_153 = vector.shape_cast %get3A_149 : vector<16xi32> to vector<16xi32>
    tpu.vector_store %arg12[%swap3A_150], %swap3A_153 {strides = array<i32>} : memref<96xi32, #tpu.memory_space<vmem>>, vector<16xi32>,
    %get3A_154 = arith.constant 48 : index
    %get3A_155 = tpu.vector_load %arg10[%get3A_154] {strides = array<i32>} : memref<96xi32, #tpu.memory_space<vmem>>, vector<16xi32>,
    %get3A_156 = vector.shape_cast %get3A_155 : vector<16xi32> to vector<16xi32>
    %swap3A_157 = arith.constant 48 : index
    %swap3A_158 = tpu.vector_load %arg12[%swap3A_157] {strides = array<i32>} : memref<96xi32, #tpu.memory_space<vmem>>, vector<16xi32>,
    %swap3A_159 = vector.shape_cast %swap3A_158 : vector<16xi32> to vector<16xi32>
    %swap3A_160 = vector.shape_cast %get3A_156 : vector<16xi32> to vector<16xi32>
    tpu.vector_store %arg12[%swap3A_157], %swap3A_160 {strides = array<i32>} : memref<96xi32, #tpu.memory_space<vmem>>, vector<16xi32>,
    %get3A_161 = arith.constant 64 : index
    %get3A_162 = tpu.vector_load %arg10[%get3A_161] {strides = array<i32>} : memref<96xi32, #tpu.memory_space<vmem>>, vector<16xi32>,
    %get3A_163 = vector.shape_cast %get3A_162 : vector<16xi32> to vector<16xi32>
    %swap3A_164 = arith.constant 64 : index
    %swap3A_165 = tpu.vector_load %arg12[%swap3A_164] {strides = array<i32>} : memref<96xi32, #tpu.memory_space<vmem>>, vector<16xi32>,
    %swap3A_166 = vector.shape_cast %swap3A_165 : vector<16xi32> to vector<16xi32>
    %swap3A_167 = vector.shape_cast %get3A_163 : vector<16xi32> to vector<16xi32>
    tpu.vector_store %arg12[%swap3A_164], %swap3A_167 {strides = array<i32>} : memref<96xi32, #tpu.memory_space<vmem>>, vector<16xi32>,
    %get3A_168 = arith.constant 80 : index
    %get3A_169 = tpu.vector_load %arg10[%get3A_168] {strides = array<i32>} : memref<96xi32, #tpu.memory_space<vmem>>, vector<16xi32>,
    %get3A_170 = vector.shape_cast %get3A_169 : vector<16xi32> to vector<16xi32>
    %swap3A_171 = arith.constant 80 : index
    %swap3A_172 = tpu.vector_load %arg12[%swap3A_171] {strides = array<i32>} : memref<96xi32, #tpu.memory_space<vmem>>, vector<16xi32>,
    %swap3A_173 = vector.shape_cast %swap3A_172 : vector<16xi32> to vector<16xi32>
    %swap3A_174 = vector.shape_cast %get3A_170 : vector<16xi32> to vector<16xi32>
    tpu.vector_store %arg12[%swap3A_171], %swap3A_174 {strides = array<i32>} : memref<96xi32, #tpu.memory_space<vmem>>, vector<16xi32>,
    %dma_start3A_175 = arith.constant 0 : i32
    %dma_start3A_176 = arith.constant 0 : i32
    %dma_start3A_177 = tpu.memref_slice %arg19[%dma_start3A_175, %dma_start3A_176] : memref<10000x128xf32, #tpu.memory_space<vmem_shared>> -> memref<10000x128xf32, #tpu.memory_space<vmem_shared>>
    tpu.enqueue_indirect_dma source(%arg16 : memref<96x128xf32, #tpu.memory_space<vmem>>) target(%dma_start3A_177 : memref<10000x128xf32, #tpu.memory_space<vmem_shared>>) offsets(%arg12 : memref<96xi32, #tpu.memory_space<vmem>>) semaphore(%arg27 : memref<!tpu.dma_semaphore, #tpu.memory_space<semaphore_mem>>) {add = true}
    %dma_wait3A_178 = arith.constant 0 : i32
    %dma_wait3A_179 = arith.constant 0 : i32
    %dma_wait3A_180 = tpu.memref_slice %arg19[%dma_wait3A_178, %dma_wait3A_179] : memref<10000x128xf32, #tpu.memory_space<vmem_shared>> -> memref<10000x128xf32, #tpu.memory_space<vmem_shared>>
    tpu.wait_indirect_dma semaphore(%arg26 : memref<!tpu.dma_semaphore, #tpu.memory_space<semaphore_mem>>) src(%arg15 : memref<96x128xf32, #tpu.memory_space<vmem>>) dst(%dma_wait3A_180 : memref<10000x128xf32, #tpu.memory_space<vmem_shared>>)
    %add3A_181 = arith.constant 9984 : i32
    %add3A_182 = arith.addi %mul3A_5, %add3A_181 : i32
    %multiple_of3A_183 = tpu.assume_multiple %add3A_182, 8 : i32
    "tpu.region"() ({
      %run_scoped3A = tpu.sem_alloc : memref<!tpu.dma_semaphore, #tpu.memory_space<semaphore_mem>>
      %dma_start3A_226 = tpu.memref_slice %arg3[%multiple_of3A_183] : memref<320000xi32, #tpu.memory_space<hbm>> -> memref<16xi32, #tpu.memory_space<hbm>>
      %dma_start3A_227 = tpu.memref_slice %arg3[%multiple_of3A_183] : memref<320000xi32, #tpu.memory_space<hbm>> -> memref<16xi32, #tpu.memory_space<hbm>>
      tpu.enqueue_dma source(%dma_start3A_227 : memref<16xi32, #tpu.memory_space<hbm>>) target(%arg17 : memref<16xi32, #tpu.memory_space<vmem>>) target_semaphore(%run_scoped3A : memref<!tpu.dma_semaphore, #tpu.memory_space<semaphore_mem>>)
      %dma_wait3A_228 = tpu.memref_slice %arg3[%multiple_of3A_183] : memref<320000xi32, #tpu.memory_space<hbm>> -> memref<16xi32, #tpu.memory_space<hbm>>
      %dma_wait3A_229 = tpu.memref_slice %arg3[%multiple_of3A_183] : memref<320000xi32, #tpu.memory_space<hbm>> -> memref<16xi32, #tpu.memory_space<hbm>>
      tpu.wait_dma2 semaphore(%run_scoped3A : memref<!tpu.dma_semaphore, #tpu.memory_space<semaphore_mem>>) src(%dma_wait3A_229 : memref<16xi32, #tpu.memory_space<hbm>>) dst(%arg17 : memref<16xi32, #tpu.memory_space<vmem>>)
      tpu.yield
    }) : () -> ()
    "tpu.region"() ({
      %run_scoped3A = tpu.sem_alloc : memref<!tpu.dma_semaphore, #tpu.memory_space<semaphore_mem>>
      %dma_start3A_226 = tpu.memref_slice %arg4[%multiple_of3A_183] : memref<320000xi32, #tpu.memory_space<hbm>> -> memref<16xi32, #tpu.memory_space<hbm>>
      %dma_start3A_227 = tpu.memref_slice %arg4[%multiple_of3A_183] : memref<320000xi32, #tpu.memory_space<hbm>> -> memref<16xi32, #tpu.memory_space<hbm>>
      tpu.enqueue_dma source(%dma_start3A_227 : memref<16xi32, #tpu.memory_space<hbm>>) target(%arg18 : memref<16xi32, #tpu.memory_space<vmem>>) target_semaphore(%run_scoped3A : memref<!tpu.dma_semaphore, #tpu.memory_space<semaphore_mem>>)
      %dma_wait3A_228 = tpu.memref_slice %arg4[%multiple_of3A_183] : memref<320000xi32, #tpu.memory_space<hbm>> -> memref<16xi32, #tpu.memory_space<hbm>>
      %dma_wait3A_229 = tpu.memref_slice %arg4[%multiple_of3A_183] : memref<320000xi32, #tpu.memory_space<hbm>> -> memref<16xi32, #tpu.memory_space<hbm>>
      tpu.wait_dma2 semaphore(%run_scoped3A : memref<!tpu.dma_semaphore, #tpu.memory_space<semaphore_mem>>) src(%dma_wait3A_229 : memref<16xi32, #tpu.memory_space<hbm>>) dst(%arg18 : memref<16xi32, #tpu.memory_space<vmem>>)
      tpu.yield
    }) : () -> ()
    %dma_start3A_184 = arith.constant 0 : i32
    %dma_start3A_185 = arith.constant 0 : i32
    %dma_start3A_186 = tpu.memref_slice %arg13[%dma_start3A_184, %dma_start3A_185] : memref<96x128xf32, #tpu.memory_space<vmem>> -> memref<16x128xf32, #tpu.memory_space<vmem>>
    %dma_start3A_187 = arith.constant 0 : i32
    %dma_start3A_188 = arith.constant 0 : i32
    %dma_start3A_189 = tpu.memref_slice %arg2[%dma_start3A_187, %dma_start3A_188] : memref<10000x128xf32, #tpu.memory_space<hbm>> -> memref<10000x128xf32, #tpu.memory_space<hbm>>
    tpu.enqueue_indirect_dma source(%dma_start3A_189 : memref<10000x128xf32, #tpu.memory_space<hbm>>) target(%dma_start3A_186 : memref<16x128xf32, #tpu.memory_space<vmem>>) offsets(%arg17 : memref<16xi32, #tpu.memory_space<vmem>>) semaphore(%arg22 : memref<!tpu.dma_semaphore, #tpu.memory_space<semaphore_mem>>)
    %dma_start3A_190 = arith.constant 0 : i32
    %dma_start3A_191 = arith.constant 0 : i32
    %dma_start3A_192 = tpu.memref_slice %arg15[%dma_start3A_190, %dma_start3A_191] : memref<96x128xf32, #tpu.memory_space<vmem>> -> memref<16x128xf32, #tpu.memory_space<vmem>>
    %dma_start3A_193 = arith.constant 0 : i32
    %dma_start3A_194 = tpu.memref_slice %arg5[%multiple_of3A_183, %dma_start3A_193] : memref<320000x128xf32, #tpu.memory_space<hbm>> -> memref<16x128xf32, #tpu.memory_space<hbm>>
    %dma_start3A_195 = arith.constant 0 : i32
    %dma_start3A_196 = arith.constant 0 : i32
    %dma_start3A_197 = tpu.memref_slice %arg15[%dma_start3A_195, %dma_start3A_196] : memref<96x128xf32, #tpu.memory_space<vmem>> -> memref<16x128xf32, #tpu.memory_space<vmem>>
    %dma_start3A_198 = arith.constant 0 : i32
    %dma_start3A_199 = tpu.memref_slice %arg5[%multiple_of3A_183, %dma_start3A_198] : memref<320000x128xf32, #tpu.memory_space<hbm>> -> memref<16x128xf32, #tpu.memory_space<hbm>>
    tpu.enqueue_dma source(%dma_start3A_199 : memref<16x128xf32, #tpu.memory_space<hbm>>) target(%dma_start3A_197 : memref<16x128xf32, #tpu.memory_space<vmem>>) target_semaphore(%arg24 : memref<!tpu.dma_semaphore, #tpu.memory_space<semaphore_mem>>)
    %dma_wait3A_200 = arith.constant 0 : i32
    %dma_wait3A_201 = arith.constant 0 : i32
    %dma_wait3A_202 = tpu.memref_slice %arg13[%dma_wait3A_200, %dma_wait3A_201] : memref<96x128xf32, #tpu.memory_space<vmem>> -> memref<16x128xf32, #tpu.memory_space<vmem>>
    %dma_wait3A_203 = arith.constant 0 : i32
    %dma_wait3A_204 = arith.constant 0 : i32
    %dma_wait3A_205 = tpu.memref_slice %arg2[%dma_wait3A_203, %dma_wait3A_204] : memref<10000x128xf32, #tpu.memory_space<hbm>> -> memref<10000x128xf32, #tpu.memory_space<hbm>>
    tpu.wait_indirect_dma semaphore(%arg22 : memref<!tpu.dma_semaphore, #tpu.memory_space<semaphore_mem>>) src(%dma_wait3A_205 : memref<10000x128xf32, #tpu.memory_space<hbm>>) dst(%dma_wait3A_202 : memref<16x128xf32, #tpu.memory_space<vmem>>)
    %dma_wait3A_206 = arith.constant 0 : i32
    %dma_wait3A_207 = arith.constant 0 : i32
    %dma_wait3A_208 = tpu.memref_slice %arg15[%dma_wait3A_206, %dma_wait3A_207] : memref<96x128xf32, #tpu.memory_space<vmem>> -> memref<16x128xf32, #tpu.memory_space<vmem>>
    %dma_wait3A_209 = arith.constant 0 : i32
    %dma_wait3A_210 = tpu.memref_slice %arg5[%multiple_of3A_183, %dma_wait3A_209] : memref<320000x128xf32, #tpu.memory_space<hbm>> -> memref<16x128xf32, #tpu.memory_space<hbm>>
    %dma_wait3A_211 = arith.constant 0 : i32
    %dma_wait3A_212 = arith.constant 0 : i32
    %dma_wait3A_213 = tpu.memref_slice %arg15[%dma_wait3A_211, %dma_wait3A_212] : memref<96x128xf32, #tpu.memory_space<vmem>> -> memref<16x128xf32, #tpu.memory_space<vmem>>
    %dma_wait3A_214 = arith.constant 0 : i32
    %dma_wait3A_215 = tpu.memref_slice %arg5[%multiple_of3A_183, %dma_wait3A_214] : memref<320000x128xf32, #tpu.memory_space<hbm>> -> memref<16x128xf32, #tpu.memory_space<hbm>>
    tpu.wait_dma2 semaphore(%arg24 : memref<!tpu.dma_semaphore, #tpu.memory_space<semaphore_mem>>) src(%dma_wait3A_215 : memref<16x128xf32, #tpu.memory_space<hbm>>) dst(%dma_wait3A_213 : memref<16x128xf32, #tpu.memory_space<vmem>>)
    %scan3A_216 = arith.constant 0 : i32
    %scan3A_217 = arith.constant 0 : i32
    %scan3A_218 = arith.constant 16 : i32
    %scan3A_219 = arith.addi %scan3A_217, %scan3A_218 : i32
    %scan3A_220 = arith.constant 1 : i32
    scf.for %scan3A_226 = %scan3A_217 to %scan3A_219 step %scan3A_220  : i32 {
      %get3A_227 = arith.index_cast %scan3A_226 : i32 to index
      %get3A_228 = arith.constant 0 : index
      %get3A_229 = tpu.vector_load %arg13[%get3A_227, %get3A_228] {strides = array<i32>} : memref<96x128xf32, #tpu.memory_space<vmem>>, vector<1x16xf32>,
      %get3A_230 = vector.shape_cast %get3A_229 : vector<1x16xf32> to vector<16xf32>
      %swap3A_231 = arith.index_cast %scan3A_226 : i32 to index
      %swap3A_232 = arith.constant 0 : index
      %swap3A_233 = tpu.vector_load %arg15[%swap3A_231, %swap3A_232] {strides = array<i32>} : memref<96x128xf32, #tpu.memory_space<vmem>>, vector<1x16xf32>,
      %swap3A_234 = vector.shape_cast %swap3A_233 : vector<1x16xf32> to vector<16xf32>
      %swap3A_235 = vector.shape_cast %get3A_230 : vector<16xf32> to vector<1x16xf32>
      tpu.vector_store %arg15[%swap3A_231, %swap3A_232], %swap3A_235 {add = true, strides = array<i32>} : memref<96x128xf32, #tpu.memory_space<vmem>>, vector<1x16xf32>,
      %get3A_236 = arith.index_cast %scan3A_226 : i32 to index
      %get3A_237 = arith.constant 16 : index
      %get3A_238 = tpu.vector_load %arg13[%get3A_236, %get3A_237] {strides = array<i32>} : memref<96x128xf32, #tpu.memory_space<vmem>>, vector<1x16xf32>,
      %get3A_239 = vector.shape_cast %get3A_238 : vector<1x16xf32> to vector<16xf32>
      %swap3A_240 = arith.index_cast %scan3A_226 : i32 to index
      %swap3A_241 = arith.constant 16 : index
      %swap3A_242 = tpu.vector_load %arg15[%swap3A_240, %swap3A_241] {strides = array<i32>} : memref<96x128xf32, #tpu.memory_space<vmem>>, vector<1x16xf32>,
      %swap3A_243 = vector.shape_cast %swap3A_242 : vector<1x16xf32> to vector<16xf32>
      %swap3A_244 = vector.shape_cast %get3A_239 : vector<16xf32> to vector<1x16xf32>
      tpu.vector_store %arg15[%swap3A_240, %swap3A_241], %swap3A_244 {add = true, strides = array<i32>} : memref<96x128xf32, #tpu.memory_space<vmem>>, vector<1x16xf32>,
      %get3A_245 = arith.index_cast %scan3A_226 : i32 to index
      %get3A_246 = arith.constant 32 : index
      %get3A_247 = tpu.vector_load %arg13[%get3A_245, %get3A_246] {strides = array<i32>} : memref<96x128xf32, #tpu.memory_space<vmem>>, vector<1x16xf32>,
      %get3A_248 = vector.shape_cast %get3A_247 : vector<1x16xf32> to vector<16xf32>
      %swap3A_249 = arith.index_cast %scan3A_226 : i32 to index
      %swap3A_250 = arith.constant 32 : index
      %swap3A_251 = tpu.vector_load %arg15[%swap3A_249, %swap3A_250] {strides = array<i32>} : memref<96x128xf32, #tpu.memory_space<vmem>>, vector<1x16xf32>,
      %swap3A_252 = vector.shape_cast %swap3A_251 : vector<1x16xf32> to vector<16xf32>
      %swap3A_253 = vector.shape_cast %get3A_248 : vector<16xf32> to vector<1x16xf32>
      tpu.vector_store %arg15[%swap3A_249, %swap3A_250], %swap3A_253 {add = true, strides = array<i32>} : memref<96x128xf32, #tpu.memory_space<vmem>>, vector<1x16xf32>,
      %get3A_254 = arith.index_cast %scan3A_226 : i32 to index
      %get3A_255 = arith.constant 48 : index
      %get3A_256 = tpu.vector_load %arg13[%get3A_254, %get3A_255] {strides = array<i32>} : memref<96x128xf32, #tpu.memory_space<vmem>>, vector<1x16xf32>,
      %get3A_257 = vector.shape_cast %get3A_256 : vector<1x16xf32> to vector<16xf32>
      %swap3A_258 = arith.index_cast %scan3A_226 : i32 to index
      %swap3A_259 = arith.constant 48 : index
      %swap3A_260 = tpu.vector_load %arg15[%swap3A_258, %swap3A_259] {strides = array<i32>} : memref<96x128xf32, #tpu.memory_space<vmem>>, vector<1x16xf32>,
      %swap3A_261 = vector.shape_cast %swap3A_260 : vector<1x16xf32> to vector<16xf32>
      %swap3A_262 = vector.shape_cast %get3A_257 : vector<16xf32> to vector<1x16xf32>
      tpu.vector_store %arg15[%swap3A_258, %swap3A_259], %swap3A_262 {add = true, strides = array<i32>} : memref<96x128xf32, #tpu.memory_space<vmem>>, vector<1x16xf32>,
      %get3A_263 = arith.index_cast %scan3A_226 : i32 to index
      %get3A_264 = arith.constant 64 : index
      %get3A_265 = tpu.vector_load %arg13[%get3A_263, %get3A_264] {strides = array<i32>} : memref<96x128xf32, #tpu.memory_space<vmem>>, vector<1x16xf32>,
      %get3A_266 = vector.shape_cast %get3A_265 : vector<1x16xf32> to vector<16xf32>
      %swap3A_267 = arith.index_cast %scan3A_226 : i32 to index
      %swap3A_268 = arith.constant 64 : index
      %swap3A_269 = tpu.vector_load %arg15[%swap3A_267, %swap3A_268] {strides = array<i32>} : memref<96x128xf32, #tpu.memory_space<vmem>>, vector<1x16xf32>,
      %swap3A_270 = vector.shape_cast %swap3A_269 : vector<1x16xf32> to vector<16xf32>
      %swap3A_271 = vector.shape_cast %get3A_266 : vector<16xf32> to vector<1x16xf32>
      tpu.vector_store %arg15[%swap3A_267, %swap3A_268], %swap3A_271 {add = true, strides = array<i32>} : memref<96x128xf32, #tpu.memory_space<vmem>>, vector<1x16xf32>,
      %get3A_272 = arith.index_cast %scan3A_226 : i32 to index
      %get3A_273 = arith.constant 80 : index
      %get3A_274 = tpu.vector_load %arg13[%get3A_272, %get3A_273] {strides = array<i32>} : memref<96x128xf32, #tpu.memory_space<vmem>>, vector<1x16xf32>,
      %get3A_275 = vector.shape_cast %get3A_274 : vector<1x16xf32> to vector<16xf32>
      %swap3A_276 = arith.index_cast %scan3A_226 : i32 to index
      %swap3A_277 = arith.constant 80 : index
      %swap3A_278 = tpu.vector_load %arg15[%swap3A_276, %swap3A_277] {strides = array<i32>} : memref<96x128xf32, #tpu.memory_space<vmem>>, vector<1x16xf32>,
      %swap3A_279 = vector.shape_cast %swap3A_278 : vector<1x16xf32> to vector<16xf32>
      %swap3A_280 = vector.shape_cast %get3A_275 : vector<16xf32> to vector<1x16xf32>
      tpu.vector_store %arg15[%swap3A_276, %swap3A_277], %swap3A_280 {add = true, strides = array<i32>} : memref<96x128xf32, #tpu.memory_space<vmem>>, vector<1x16xf32>,
      %get3A_281 = arith.index_cast %scan3A_226 : i32 to index
      %get3A_282 = arith.constant 96 : index
      %get3A_283 = tpu.vector_load %arg13[%get3A_281, %get3A_282] {strides = array<i32>} : memref<96x128xf32, #tpu.memory_space<vmem>>, vector<1x16xf32>,
      %get3A_284 = vector.shape_cast %get3A_283 : vector<1x16xf32> to vector<16xf32>
      %swap3A_285 = arith.index_cast %scan3A_226 : i32 to index
      %swap3A_286 = arith.constant 96 : index
      %swap3A_287 = tpu.vector_load %arg15[%swap3A_285, %swap3A_286] {strides = array<i32>} : memref<96x128xf32, #tpu.memory_space<vmem>>, vector<1x16xf32>,
      %swap3A_288 = vector.shape_cast %swap3A_287 : vector<1x16xf32> to vector<16xf32>
      %swap3A_289 = vector.shape_cast %get3A_284 : vector<16xf32> to vector<1x16xf32>
      tpu.vector_store %arg15[%swap3A_285, %swap3A_286], %swap3A_289 {add = true, strides = array<i32>} : memref<96x128xf32, #tpu.memory_space<vmem>>, vector<1x16xf32>,
      %get3A_290 = arith.index_cast %scan3A_226 : i32 to index
      %get3A_291 = arith.constant 112 : index
      %get3A_292 = tpu.vector_load %arg13[%get3A_290, %get3A_291] {strides = array<i32>} : memref<96x128xf32, #tpu.memory_space<vmem>>, vector<1x16xf32>,
      %get3A_293 = vector.shape_cast %get3A_292 : vector<1x16xf32> to vector<16xf32>
      %swap3A_294 = arith.index_cast %scan3A_226 : i32 to index
      %swap3A_295 = arith.constant 112 : index
      %swap3A_296 = tpu.vector_load %arg15[%swap3A_294, %swap3A_295] {strides = array<i32>} : memref<96x128xf32, #tpu.memory_space<vmem>>, vector<1x16xf32>,
      %swap3A_297 = vector.shape_cast %swap3A_296 : vector<1x16xf32> to vector<16xf32>
      %swap3A_298 = vector.shape_cast %get3A_293 : vector<16xf32> to vector<1x16xf32>
      tpu.vector_store %arg15[%swap3A_294, %swap3A_295], %swap3A_298 {add = true, strides = array<i32>} : memref<96x128xf32, #tpu.memory_space<vmem>>, vector<1x16xf32>,
    }
    %scan3A_221 = arith.constant 16 : i32
    "tpu.region"() ({
      %run_scoped3A = tpu.sem_alloc : memref<!tpu.dma_semaphore, #tpu.memory_space<semaphore_mem>>
      %dma_start3A_226 = arith.constant 0 : i32
      %dma_start3A_227 = arith.constant 0 : i32
      %dma_start3A_228 = tpu.memref_slice %arg15[%dma_start3A_226, %dma_start3A_227] : memref<96x128xf32, #tpu.memory_space<vmem>> -> memref<16x128xf32, #tpu.memory_space<vmem>>
      %dma_start3A_229 = arith.constant 0 : i32
      %dma_start3A_230 = arith.constant 0 : i32
      %dma_start3A_231 = tpu.memref_slice %arg19[%dma_start3A_229, %dma_start3A_230] : memref<10000x128xf32, #tpu.memory_space<vmem_shared>> -> memref<10000x128xf32, #tpu.memory_space<vmem_shared>>
      tpu.enqueue_indirect_dma source(%dma_start3A_228 : memref<16x128xf32, #tpu.memory_space<vmem>>) target(%dma_start3A_231 : memref<10000x128xf32, #tpu.memory_space<vmem_shared>>) offsets(%arg18 : memref<16xi32, #tpu.memory_space<vmem>>) semaphore(%run_scoped3A : memref<!tpu.dma_semaphore, #tpu.memory_space<semaphore_mem>>) {add = true}
      %dma_wait3A_232 = arith.constant 0 : i32
      %dma_wait3A_233 = arith.constant 0 : i32
      %dma_wait3A_234 = tpu.memref_slice %arg15[%dma_wait3A_232, %dma_wait3A_233] : memref<96x128xf32, #tpu.memory_space<vmem>> -> memref<16x128xf32, #tpu.memory_space<vmem>>
      %dma_wait3A_235 = arith.constant 0 : i32
      %dma_wait3A_236 = arith.constant 0 : i32
      %dma_wait3A_237 = tpu.memref_slice %arg19[%dma_wait3A_235, %dma_wait3A_236] : memref<10000x128xf32, #tpu.memory_space<vmem_shared>> -> memref<10000x128xf32, #tpu.memory_space<vmem_shared>>
      tpu.wait_indirect_dma semaphore(%run_scoped3A : memref<!tpu.dma_semaphore, #tpu.memory_space<semaphore_mem>>) src(%dma_wait3A_234 : memref<16x128xf32, #tpu.memory_space<vmem>>) dst(%dma_wait3A_237 : memref<10000x128xf32, #tpu.memory_space<vmem_shared>>)
      tpu.yield
    }) : () -> ()
    %dma_wait3A_222 = arith.constant 0 : i32
    %dma_wait3A_223 = arith.constant 0 : i32
    %dma_wait3A_224 = tpu.memref_slice %arg19[%dma_wait3A_222, %dma_wait3A_223] : memref<10000x128xf32, #tpu.memory_space<vmem_shared>> -> memref<10000x128xf32, #tpu.memory_space<vmem_shared>>
    tpu.wait_indirect_dma semaphore(%arg27 : memref<!tpu.dma_semaphore, #tpu.memory_space<semaphore_mem>>) src(%arg16 : memref<96x128xf32, #tpu.memory_space<vmem>>) dst(%dma_wait3A_224 : memref<10000x128xf32, #tpu.memory_space<vmem_shared>>)
    %barrier3A_225 = arith.constant 0 : index
    tpu.barrier barrier_id(%barrier3A_225)
    "tpu.region"() ({
      %run_scoped3A = tpu.sem_alloc : memref<!tpu.dma_semaphore, #tpu.memory_space<semaphore_mem>>
      %dma_start3A_226 = arith.constant 0 : i32
      %dma_start3A_227 = tpu.memref_slice %arg6[%arg0, %multiple_of3A, %dma_start3A_226] : memref<2x10000x128xf32, #tpu.memory_space<hbm>> -> memref<1x632x128xf32, #tpu.memory_space<hbm>>
      %dma_start3A_228 = tpu.memref_squeeze %dma_start3A_227 : memref<1x632x128xf32, #tpu.memory_space<hbm>> -> memref<632x128xf32, #tpu.memory_space<hbm>>
      %dma_start3A_229 = arith.constant 0 : i32
      %dma_start3A_230 = tpu.memref_slice %arg19[%multiple_of3A, %dma_start3A_229] : memref<10000x128xf32, #tpu.memory_space<vmem_shared>> -> memref<632x128xf32, #tpu.memory_space<vmem_shared>>
      tpu.enqueue_dma source(%dma_start3A_230 : memref<632x128xf32, #tpu.memory_space<vmem_shared>>) target(%dma_start3A_228 : memref<632x128xf32, #tpu.memory_space<hbm>>) target_semaphore(%run_scoped3A : memref<!tpu.dma_semaphore, #tpu.memory_space<semaphore_mem>>)
      %dma_wait3A_231 = arith.constant 0 : i32
      %dma_wait3A_232 = tpu.memref_slice %arg6[%arg0, %multiple_of3A, %dma_wait3A_231] : memref<2x10000x128xf32, #tpu.memory_space<hbm>> -> memref<1x632x128xf32, #tpu.memory_space<hbm>>
      %dma_wait3A_233 = tpu.memref_squeeze %dma_wait3A_232 : memref<1x632x128xf32, #tpu.memory_space<hbm>> -> memref<632x128xf32, #tpu.memory_space<hbm>>
      %dma_wait3A_234 = arith.constant 0 : i32
      %dma_wait3A_235 = tpu.memref_slice %arg19[%multiple_of3A, %dma_wait3A_234] : memref<10000x128xf32, #tpu.memory_space<vmem_shared>> -> memref<632x128xf32, #tpu.memory_space<vmem_shared>>
      tpu.wait_dma2 semaphore(%run_scoped3A : memref<!tpu.dma_semaphore, #tpu.memory_space<semaphore_mem>>) src(%dma_wait3A_235 : memref<632x128xf32, #tpu.memory_space<vmem_shared>>) dst(%dma_wait3A_233 : memref<632x128xf32, #tpu.memory_space<hbm>>)
      tpu.yield
    }) : () -> ()
    return
  }
}

module attributes {stable_mosaic.version = 14 : i64} {
  func.func @_mlp_body(%arg0: i32, %arg1: memref<2x2000x128xf32, #tpu.memory_space<vmem>>, %arg2: memref<128x128xf32, #tpu.memory_space<vmem>>, %arg3: memref<1x128xf32, #tpu.memory_space<vmem>>, %arg4: memref<128x128xf32, #tpu.memory_space<vmem>>, %arg5: memref<1x128xf32, #tpu.memory_space<vmem>>, %arg6: memref<2000x128xf32, #tpu.memory_space<vmem>>) attributes {dimension_semantics = [#tpu.dimension_semantics<arbitrary>], iteration_bounds = array<i64: 5>, scalar_prefetch = 0 : i64, scratch_operands = 0 : i64, tpu.core_type = #tpu.core_type<tc>, window_params = [{transform_indices = @transform_0, window_bounds = array<i64: 2, 2000, 128>}, {pipeline_mode = #tpu.pipeline_mode<synchronous>, transform_indices = @transform_1, window_bounds = array<i64: 128, 128>}, {pipeline_mode = #tpu.pipeline_mode<synchronous>, transform_indices = @transform_2, window_bounds = array<i64: 1, 128>}, {pipeline_mode = #tpu.pipeline_mode<synchronous>, transform_indices = @transform_3, window_bounds = array<i64: 128, 128>}, {pipeline_mode = #tpu.pipeline_mode<synchronous>, transform_indices = @transform_4, window_bounds = array<i64: 1, 128>}, {transform_indices = @transform_5, window_bounds = array<i64: 2000, 128>}]} {
    %get3A = arith.constant 0 : index
    %get3A_0 = arith.constant 0 : index
    %get3A_1 = arith.constant 0 : index
    %get3A_2 = vector.load %arg1[%get3A, %get3A_0, %get3A_1] : memref<2x2000x128xf32, #tpu.memory_space<vmem>>, vector<1x2000x128xf32>
    %get3A_3 = vector.shape_cast %get3A_2 : vector<1x2000x128xf32> to vector<2000x128xf32>
    %get3A_4 = arith.constant 1 : index
    %get3A_5 = arith.constant 0 : index
    %get3A_6 = arith.constant 0 : index
    %get3A_7 = vector.load %arg1[%get3A_4, %get3A_5, %get3A_6] : memref<2x2000x128xf32, #tpu.memory_space<vmem>>, vector<1x2000x128xf32>
    %get3A_8 = vector.shape_cast %get3A_7 : vector<1x2000x128xf32> to vector<2000x128xf32>
    %add3A = arith.addf %get3A_3, %get3A_8 : vector<2000x128xf32>
    %get3A_9 = arith.constant 0 : index
    %get3A_10 = arith.constant 0 : index
    %get3A_11 = vector.load %arg2[%get3A_9, %get3A_10] : memref<128x128xf32, #tpu.memory_space<vmem>>, vector<128x128xf32>
    %dot_general3A = arith.constant dense<0.000000e+00> : vector<2000x128xf32>
    %dot_general3A_12 = tpu.matmul %add3A, %get3A_11, %dot_general3A {dimension_numbers = #tpu.dot_dimension_numbers<[1], [0], [0], [1], [0, 0, 1, 1], [], []>, transpose_lhs_hint = false} : vector<2000x128xf32>, vector<128x128xf32>, vector<2000x128xf32> -> vector<2000x128xf32>
    %get3A_13 = arith.constant 0 : index
    %get3A_14 = arith.constant 0 : index
    %get3A_15 = vector.load %arg3[%get3A_13, %get3A_14] : memref<1x128xf32, #tpu.memory_space<vmem>>, vector<1x128xf32>
    %add3A_16 = vector.broadcast %get3A_15 : vector<1x128xf32> to vector<2000x128xf32>
    %add3A_17 = arith.addf %dot_general3A_12, %add3A_16 : vector<2000x128xf32>
    %ge3A = arith.constant 0.000000e+00 : f32
    %ge3A_18 = vector.broadcast %ge3A : f32 to vector<2000x128xf32>
    %ge3A_19 = arith.cmpf oge, %add3A_17, %ge3A_18 : vector<2000x128xf32>
    %mul3A = arith.constant 0.00999999977 : f32
    %mul3A_20 = vector.broadcast %mul3A : f32 to vector<2000x128xf32>
    %mul3A_21 = arith.mulf %mul3A_20, %add3A_17 : vector<2000x128xf32>
    %select_n3A = arith.select %ge3A_19, %add3A_17, %mul3A_21 : vector<2000x128xi1>, vector<2000x128xf32>
    %get3A_22 = arith.constant 0 : index
    %get3A_23 = arith.constant 0 : index
    %get3A_24 = vector.load %arg4[%get3A_22, %get3A_23] : memref<128x128xf32, #tpu.memory_space<vmem>>, vector<128x128xf32>
    %dot_general3A_25 = arith.constant dense<0.000000e+00> : vector<2000x128xf32>
    %dot_general3A_26 = tpu.matmul %select_n3A, %get3A_24, %dot_general3A_25 {dimension_numbers = #tpu.dot_dimension_numbers<[1], [0], [0], [1], [0, 0, 1, 1], [], []>, transpose_lhs_hint = false} : vector<2000x128xf32>, vector<128x128xf32>, vector<2000x128xf32> -> vector<2000x128xf32>
    %get3A_27 = arith.constant 0 : index
    %get3A_28 = arith.constant 0 : index
    %get3A_29 = vector.load %arg5[%get3A_27, %get3A_28] : memref<1x128xf32, #tpu.memory_space<vmem>>, vector<1x128xf32>
    %add3A_30 = vector.broadcast %get3A_29 : vector<1x128xf32> to vector<2000x128xf32>
    %add3A_31 = arith.addf %dot_general3A_26, %add3A_30 : vector<2000x128xf32>
    %swap3A = arith.constant 0 : index
    %swap3A_32 = arith.constant 0 : index
    %swap3A_33 = vector.load %arg6[%swap3A, %swap3A_32] : memref<2000x128xf32, #tpu.memory_space<vmem>>, vector<2000x128xf32>
    tpu.vector_store %arg6[%swap3A, %swap3A_32], %add3A_31 {strides = array<i32>} : memref<2000x128xf32, #tpu.memory_space<vmem>>, vector<2000x128xf32>,
    return
  }
  func.func @transform_0(%arg0: i32) -> (i32, i32, i32) {
    %c0_i32 = arith.constant 0 : i32
    %c0_i32_0 = arith.constant 0 : i32
    %c0_i32_1 = arith.constant 0 : i32
    return %c0_i32, %arg0, %c0_i32_0 : i32, i32, i32
  }
  func.func @transform_1(%arg0: i32) -> (i32, i32) {
    %c0_i32 = arith.constant 0 : i32
    %c0_i32_0 = arith.constant 0 : i32
    %c0_i32_1 = arith.constant 0 : i32
    return %c0_i32, %c0_i32_0 : i32, i32
  }
  func.func @transform_2(%arg0: i32) -> (i32, i32) {
    %c0_i32 = arith.constant 0 : i32
    %c0_i32_0 = arith.constant 0 : i32
    %c0_i32_1 = arith.constant 0 : i32
    return %c0_i32, %c0_i32_0 : i32, i32
  }
  func.func @transform_3(%arg0: i32) -> (i32, i32) {
    %c0_i32 = arith.constant 0 : i32
    %c0_i32_0 = arith.constant 0 : i32
    %c0_i32_1 = arith.constant 0 : i32
    return %c0_i32, %c0_i32_0 : i32, i32
  }
  func.func @transform_4(%arg0: i32) -> (i32, i32) {
    %c0_i32 = arith.constant 0 : i32
    %c0_i32_0 = arith.constant 0 : i32
    %c0_i32_1 = arith.constant 0 : i32
    return %c0_i32, %c0_i32_0 : i32, i32
  }
  func.func @transform_5(%arg0: i32) -> (i32, i32) {
    %c0_i32 = arith.constant 0 : i32
    %c0_i32_0 = arith.constant 0 : i32
    return %arg0, %c0_i32 : i32, i32
  }
}

</mosaic_0001>

<sc_bundles>
// kernel: kernel.4.cloned.1.call-start
scs
__scs_entry_jumppad:
0x0: {  	(pc) =	sbr.rel $0x88, $3  }
0x1: {  	(tag) =	ssettag $0x0;
	lr =	simm.s32 $0x1  }
0x2: {  	[smem:$0x3F9A] =	sst lr;
	_ =	strace $0xD0000000  }
0x3: {  	_ = 	snop  }
0x4: {  	_ = 	snop  }
0x5: {  	_ = 	snop  }
0x6: {  	_ = 	snop  }
0x7: {  	_ = 	snop  }
__scs_overlays_trampoline_lowered:
0x8: {  	[smem:$0x3FA9] =	sst s0  }
0x9: {  	[smem:$0x3FAA] =	sst s1  }
0xa: {  	[smem:$0x3FAB] =	sst s2  }
0xb: {  	[smem:$0x3FAC] =	sst s3  }
0xc: {  	[smem:$0x3FAD] =	sst s4  }
0xd: {  	[smem:$0x3FAE] =	sst s5  }
0xe: {  	[smem:$0x3FAF] =	sst s6  }
0xf: {  	[smem:$0x3FB0] =	sst s7  }
0x10: {  	[smem:$0x3FB1] =	sst s8  }
0x11: {  	[smem:$0x3FB2] =	sst s9;
	s0 =	simm.s32 @!p0 $0x0  }
0x12: {  	s1 =	sld [smem:$0x3F98];
	s0 =	simm.s32 @p0 $0x1  }
0x13: {  	[smem:$0x3FB3] =	sst s0;
	s0 =	simm.s32 @!p1 $0x0  }
0x14: {  	s2 =	sld [smem:$0x3F97];
	s0 =	simm.s32 @p1 $0x1  }
0x15: {  	[smem:$0x3FB4] =	sst s0;
	s0 =	simm.s32 @!p2 $0x0  }
0x16: {  	s3 =	sld [smem:$0x3FDB];
	s0 =	simm.s32 @p2 $0x1  }
0x17: {  	s4 =	simm.s32 $0x1BF5;
	[smem:$0x3FB6] =	sst s0  }
0x18: {  	s0 =	sld [smem:$0x3F99];
	_ =	swait.ge [sflag:s4], $0x0  }
0x19: {  	s7 =	sld [smem:$0x3F9A]  }
0x1a: {  	s8 =	sadd.s32 $0xFFFFE003, lr  }
0x1b: {  	s9 =	sadd.s32 $0xFFFFFEF7, lr;
	s5 =	simm.s32 $0xFFFFFFFF;
	p2 =	slt.u32 s8, $0xFFFFF086  }
0x1c: {  	p1 =	slt.u32 s9, $0xF7A;
	s5 =	simm.s32 @!p2 $0x0  }
0x1d: {  	s5 =	simm.s32 @p1 $0x1;
	p0 =	seq.s32 s7, s2  }
0x1e: {  	s7 =	smul.u32 @!p0 $0xF7A, s2;
	p2 =	seq.s32 @!p0 s5, $0x0  }
0x1f: {  	s9 =	smul.u32 $0xF7A, s1;
	s8 =	simm.s32 @!p0 $0x1BF5;
	p2 =	por !p2, p0  }
0x20: {  	[sflag:s8] =	ssyncset.s32 @!p0 $0xFFFFF086;
	s6 =	sadd.s32 @!p0 s3, s7;
	s7 =	simm.s32 @!p0 $0x108  }
0x21: {  	s3 =	sadd.s32 s3, s9;
	s6 =	sadd.s32 @!p0 $0x88, s6;
	s7 =	simm.s32 @p2 $0x1082  }
0x22: {  	[simem:s7], [sflag:s8] =	dma.local @!p0 [hbm:s6], $0xF7A  }
0x23: {  	s9 =	sor.u32 $0xD0000000, s2;
	s6 =	simm.s32 $0x108;
	_ =	swait.ge @!p0 [sflag:s8], $0x0  }
0x24: {  	s3 =	sadd.s32 $0x88, s3;
	s6 =	simm.s32 @!p1 $0x1082;
	[sflag:s4] =	ssyncset.s32 $0xFFFFF086  }
0x25: {  	[simem:s6], [sflag:s4] =	dma.local [hbm:s3], $0xF7A  }
0x26: {  	[smem:$0x3F9A] =	sst s1;
	(tag) =	ssettag s2;
	_ =	strace s9  }
0x27: {  	s1 =	sld [smem:$0x3FAA]  }
0x28: {  	s2 =	sld [smem:$0x3FAB]  }
0x29: {  	s4 =	sld [smem:$0x3FAD]  }
0x2a: {  	p0 =	seq.s32 s5, $0x0;
	s5 =	sld [smem:$0x3FAE]  }
0x2b: {  	s6 =	sld [smem:$0x3FAF]  }
0x2c: {  	s7 =	sld [smem:$0x3FB0]  }
0x2d: {  	s3 =	simm.s32 $0x108;
	s8 =	sld [smem:$0x3FB1]  }
0x2e: {  	s3 =	simm.s32 @!p0 $0x1082;
	s9 =	sld [smem:$0x3FB2]  }
0x2f: {  	lr =	sadd.s32 s0, s3;
	s0 =	sld [smem:$0x3FA9]  }
0x30: {  	s3 =	sld [smem:$0x3FAC]  }
0x31: {  	[smem:$0x3FB5] =	sst s10  }
0x32: {  	s10 =	sld [smem:$0x3FB3];
	_ =	sdelay $0x3  }
0x33: {  	p0 =	seq.s32 s10, $0x1;
	s10 =	sld [smem:$0x3FB5];
	_ =	sdelay $0x3  }
0x34: {  	[smem:$0x3FB5] =	sst s10  }
0x35: {  	s10 =	sld [smem:$0x3FB4];
	_ =	sdelay $0x3  }
0x36: {  	p1 =	seq.s32 s10, $0x1;
	s10 =	sld [smem:$0x3FB5];
	_ =	sdelay $0x3  }
0x37: {  	[smem:$0x3FB5] =	sst s10  }
0x38: {  	s10 =	sld [smem:$0x3FB6]  }
0x39: {  	_ = 	snop;
	(pc) =	sbr.ind lr, $3  }
0x3a: {  	_ = 	snop  }
0x3b: {  	_ = 	snop  }
0x3c: {  	p2 =	seq.s32 s10, $0x1;
	s10 =	sld [smem:$0x3FB5]  }
0x3d: {  	_ =	shalt  }
0x3e: {  	_ =	shalt  }
0x3f: {  	_ =	shalt  }
0x40: {  	_ =	shalt  }
0x41: {  	_ =	shalt  }
0x42: {  	_ =	shalt  }
0x43: {  	_ =	shalt  }
0x44: {  	_ =	shalt  }
0x45: {  	_ =	shalt  }
0x46: {  	_ =	shalt  }
0x47: {  	_ =	shalt  }
0x48: {  	_ =	shalt  }
0x49: {  	_ =	shalt  }
0x4a: {  	_ =	shalt  }
0x4b: {  	_ =	shalt  }
0x4c: {  	_ =	shalt  }
0x4d: {  	_ =	shalt  }
0x4e: {  	_ =	shalt  }
0x4f: {  	_ =	shalt  }
0x50: {  	_ =	shalt  }
0x51: {  	_ =	shalt  }
0x52: {  	_ =	shalt  }
0x53: {  	_ =	shalt  }
0x54: {  	_ =	shalt  }
0x55: {  	_ =	shalt  }
0x56: {  	_ =	shalt  }
0x57: {  	_ =	shalt  }
0x58: {  	_ =	shalt  }
0x59: {  	_ =	shalt  }
0x5a: {  	_ =	shalt  }
0x5b: {  	_ =	shalt  }
0x5c: {  	_ =	shalt  }
0x5d: {  	_ =	shalt  }
0x5e: {  	_ =	shalt  }
0x5f: {  	_ =	shalt  }
0x60: {  	_ =	shalt  }
0x61: {  	_ =	shalt  }
0x62: {  	_ =	shalt  }
0x63: {  	_ =	shalt  }
0x64: {  	_ =	shalt  }
0x65: {  	_ =	shalt  }
0x66: {  	_ =	shalt  }
0x67: {  	_ =	shalt  }
0x68: {  	_ =	shalt  }
0x69: {  	_ =	shalt  }
0x6a: {  	_ =	shalt  }
0x6b: {  	_ =	shalt  }
0x6c: {  	_ =	shalt  }
0x6d: {  	_ =	shalt  }
0x6e: {  	_ =	shalt  }
0x6f: {  	_ =	shalt  }
0x70: {  	_ =	shalt  }
0x71: {  	_ =	shalt  }
0x72: {  	_ =	shalt  }
0x73: {  	_ =	shalt  }
0x74: {  	_ =	shalt  }
0x75: {  	_ =	shalt  }
0x76: {  	_ =	shalt  }
0x77: {  	_ =	shalt  }
0x78: {  	_ =	shalt  }
0x79: {  	_ =	shalt  }
0x7a: {  	_ =	shalt  }
0x7b: {  	_ =	shalt  }
0x7c: {  	_ =	shalt  }
0x7d: {  	_ =	shalt  }
0x7e: {  	_ =	shalt  }
0x7f: {  	_ =	shalt  }
0x80: {  	_ =	shalt  }
0x81: {  	_ =	shalt  }
0x82: {  	_ =	shalt  }
0x83: {  	_ =	shalt  }
0x84: {  	_ =	shalt  }
0x85: {  	_ =	shalt  }
0x86: {  	_ =	shalt  }
0x87: {  	_ =	shalt  }
.Lfunc_end0:
.L_simem_size_0:
called_computation_lowered:
.L_overlay_start_0:
0x88: {  	s2 =	sld [smem:$0x3FD9]  }
0x89: {  	s3 =	sld [smem:$0x3FFE];
	_ =	sdelay $0x1  }
0x8a: {  	s1 =	srdreg.scid  }
0x8b: {  	s0 =	sand.u32 $0x1, s1  }
0x8c: {  	s17 =	sshll.u32 s0, $0xA;
	s2 =	sadd.s32 s3, s2  }
0x8d: {  	s2 =	sadd.s32 s2, s17  }
0x8e: {  	[smem:$0x3FC1] =	sst s2  }
0x8f: {  	_ = 	snop  }
0x90: {  	s2 =	sld [smem:$0x3FC9]  }
0x91: {  	s18 =	sld [smem:$0x3FC7]  }
0x92: {  	s4 =	sld [smem:$0x3FD0];
	(tm) =	ssettm $0x1  }
0x93: {  	s5 =	sld [smem:$0x3FFB];
	_ =	sdelay $0x3  }
0x94: {  	_ =	strace s5  }
0x95: {  	s5 =	sld [smem:$0x3FFC];
	_ =	sdelay $0x3  }
0x96: {  	_ =	strace s5  }
0x97: {  	s5 =	sld [smem:$0x3FFD];
	_ =	sdelay $0x3  }
0x98: {  	_ =	strace s5  }
0x99: {  	_ =	strace $0x8FFFFFFF  }
0x9a: {  	s19 =	sld [smem:$0x3FDB];
	_ =	sdelay $0x1  }
0x9b: {  	s6 =	simm.s32 $_scs_section_size  }
0x9c: {  	s7 =	simm.s32 $_size__tile_overlayer_lowered;
	s8 =	simm.s32 $_tile_overlayer_lowered  }
0x9d: {  	s22 =	simm.s32 $0x1BFF;
	s21 =	sshll.u32 s8, $0x1;
	s5 =	sadd.s32 s6, s19  }
0x9e: {  	s9 =	simm.s32 $0x0;
	s20 =	sshll.u32 s7, $0x1;
	s7 =	sadd.s32 s21, s5  }
0x9f: {  	[timem:s9], [sflag:s22] =	dma.local [hbm:s7], s20  }
0xa0: {  	_ =	swait.ge [sflag:s22], s20  }
0xa1: {  	s6 =	ssub.s32 $0x0, s20;
	[sflag:s22] =	ssyncset.done $0x0  }
0xa2: {  	[sflag:s22] =	ssyncadd.s32 s6;
	_ =	sdelay $0x1  }
0xa3: {  	s23 =	simm.s32 $0x1B8B  }
0xa4: {  	_ =	swait.ge [sflag:s23], $0x1  }
0xa5: {  	[sflag:s23] =	ssyncset.done $0x0  }
0xa6: {  	s25 =	simm.s32 $0x1B8E;
	s24 =	sld [smem:$0x3FFE];
	[sflag:s23] =	ssyncadd.s32 $0xFFFFFFFF  }
0xa7: {  	s26 =	simm.s32 $execute0_lowered;
	[smem:$0x3FD2] =	sst s25  }
0xa8: {  	s7 =	sshll.u32 s26, $0x1;
	_ =	strace $0x80000046;
	[dreg:$0x1] =	wrdreg $0xFFFFFFFF  }
0xa9: {  	s28 =	simm.s32 $_size_execute0_lowered;
	s5 =	sadd.s32 s5, s7;
	[dreg:$0x0] =	wrdreg $0x0  }
0xaa: {  	s7 =	sshll.u32 s28, $0x1;
	[dreg:$0x2] =	wrdreg s5  }
0xab: {  	[dreg:$0x3] =	wrdreg s7  }
0xac: {  	[dreg:$0x4] =	wrdreg $0xC0  }
0xad: {  	_ =	task [dreg:s9], $0x5FFFF  }
0xae: {  	[dreg:$0x1] =	wrdreg $0xFFFFFFFF  }
0xaf: {  	[dreg:$0x0] =	wrdreg $0x60  }
0xb0: {  	[dreg:$0x2] =	wrdreg s2  }
0xb1: {  	[dreg:$0x3] =	wrdreg s24  }
0xb2: {  	[dreg:$0x4] =	wrdreg s4  }
0xb3: {  	[dreg:$0x5] =	wrdreg s18  }
0xb4: {  	[dreg:$0x6] =	wrdreg $0xC4000  }
0xb5: {  	[dreg:$0x7] =	wrdreg $0x9  }
0xb6: {  	_ =	task.clear_ibuf [dreg:s9], $0x8FFFF;
	_ =	strace $0x90000046  }
0xb7: {  	s29 =	simm.s32 $0x9;
	_ =	strace $0x80000048  }
0xb8: {  	_ =	swait.ge [sflag:s29], $0x1  }
0xb9: {  	[sflag:s29] =	ssyncadd.s32 $0xFFFFFFFF  }
0xba: {  	_ =	strace $0x90000048  }
0xbb: {  	_ =	sfence  }
0xbc: {  	s30 =	sld [smem:$0x0];
	_ =	sdelay $0x2  }
0xbd: {  	s31 =	sshll.u32 s1, $0xD;
	s1 =	sshrl.u32 s1, $0x2  }
0xbe: {  	s3 =	sand.u32 $0x4000, s31;
	s1 =	sadd.s32 s1, s30  }
0xbf: {  	s0 =	sor.u32 s3, s0;
	s1 =	sshll.u32 s1, $0x11  }
0xc0: {  	s0 =	sor.u32 s1, s0  }
0xc1: {  	s0 =	sadd.s32 $0x8F2B, s0  }
0xc2: {  	[sflag:s0] =	ssyncadd.remote.s32 $0x1  }
0xc3: {  	_ =	sfence.sel $0xFFFF  }
0xc4: {  	[dreg:$0x0] =	wrdreg $0xFFFFFFFF;
	(pc) =	sbr.abs _section_cstart, $3  }
0xc5: {  	[dreg:$0x1] =	wrdreg $0xFFFFFFFF  }
0xc6: {  	_ =	task.clear_ibuf [dreg:s9], $0x2FFFF;
	_ =	strace $0x9FFFFFFF  }
0xc7: {  	(tm) =	ssettm $0x7FFFFFFF  }
tec
execute0_lowered:
.L_overlay_start_1:
0x0: {  	(tag) =	ssettag $0x1  }
0x1: {  	s0 =	rddreg [dreg:$0x0]  }
0x2: {  	s1 =	rddreg [dreg:$0x1]  }
0x3: {  	s3 =	rddreg [dreg:$0x2]  }
0x4: {  	s4 =	rddreg [dreg:$0x3]  }
0x5: {  	s5 =	rddreg [dreg:$0x4]  }
0x6: {  	s13 =	stileid.u32;
	s2 =	srdreg.scid  }
0x7: {  	s6 =	simm.s32 $0x0;
	s28 =	simm.s32 $0x60;
	s29 =	simm.s32 $0x300  }
0x8: {  	s30 =	simm.s32 $0x6300;
	s31 =	simm.s32 $0x80;
	s7 =	smul.u32 $0x278, s13  }
0x9: {  	s2 =	sand.u32 $0x1, s2;
	[smem:$0x7FF] =	sst s6;
	s14 =	sshll.u32 s13, $0x6  }
0xa: {  	s9 =	smul.u32 $0x138800, s2;
	_ =	strace $0x80000047;
	s11 =	ssub.s32 $0x2, s2  }
0xb: {  	s2 =	sshll.u32 s2, $0x4;
	s22 =	sor.u32 $0x1C09, s14;
	s14 =	simm.s32 $0x200  }
0xc: {  	s8 =	smin.u32 s7, $0x2498;
	s7 =	sadd.s32 $0x600, s1;
	s12 =	sshrl.u32 s11, $0x1  }
0xd: {  	s2 =	sor.u32 s13, s2;
	s13 =	simm.s32 $0x5;
	[dreg:$0x8] =	wrdreg s22  }
0xe: {  	s10 =	sshll.u32 s8, $0x7;
	s26 =	smul.u32 $0x2710, s2;
	s8 =	sshll.u32 s8, $0x4  }
0xf: {  	s17 =	smul.u32 $0x27100, s2;
	s9 =	sadd.s32 s9, s10;
	s10 =	sadd.s32 s10, s5  }
0x10: {  	s2 =	smul.u32 $0x138800, s2;
	s8 =	sadd.s32 s0, s8;
	[dreg:$0x6] =	wrdreg s10  }
0x11: {  	s9 =	sshrl.u32 s9, $0x3;
	[dreg:$0x7] =	wrdreg s8;
	s15 =	sshrl.u32 s26, $0x3  }
0x12: {  	s10 =	sadd.s32 s4, s17;
	s17 =	sadd.s32 $0xC0, s26;
	s2 =	sshrl.u32 s2, $0x3  }
0x13: {  	s20 =	sadd.s32 $0x2700, s26;
	s1 =	sadd.s32 s9, s1;
	s9 =	ssub.s32 s11, s12  }
0x14: {  	s16 =	sadd.s32 s7, s15;
	s12 =	sadd.s32 $0x60, s26;
	s8 =	sadd.s32 s3, s15  }
0x15: {  	[dreg:$0xb] =	wrdreg s10;
	s2 =	sadd.s32 s4, s2;
	s21 =	sshrl.u32 s20, $0x3  }
0x16: {  	s24 =	sshll.u32 s20, $0x4;
	s11 =	simm.s32 $0x3;
	[dreg:$0x9] =	wrdreg s16  }
0x17: {  	s15 =	simm.s32 $0x7;
	[dreg:$0xa] =	wrdreg s8;
	s2 =	sadd.s32 $0x26A00, s2  }
0x18: {  	s20 =	simm.s32 $0x6;
	s23 =	sadd.s32 s7, s21;
	[dreg:$0xe] =	wrdreg s2  }
0x19: {  	s18 =	sshrl.u32 s12, $0x3;
	s25 =	sadd.s32 s3, s21;
	[dreg:$0xf] =	wrdreg s23  }
0x1a: {  	s1 =	sadd.s32 $0xA400, s1;
	s16 =	simm.s32 $0x1;
	[dreg:$0x10] =	wrdreg s25  }
0x1b: {  	s21 =	simm.s32 $0x280;
	s19 =	sadd.s32 s7, s18;
	[dreg:$0x12] =	wrdreg s1  }
0x1c: {  	s8 =	sadd.s32 s3, s18;
	s18 =	sadd.s32 $0x120, s26;
	[dreg:$0xc] =	wrdreg s19  }
0x1d: {  	s2 =	sadd.s32 s4, s24;
	s26 =	smax.u32 s9, $0x1;
	[dreg:$0xd] =	wrdreg s8  }
0x1e: {  	s23 =	simm.s32 $0x9;
	s1 =	simm.s32 $0x2;
	[dreg:$0x11] =	wrdreg s2  }
0x1f: {  	s9 =	simm.s32 $0x9300;
	s24 =	simm.s32 $0x0;
	[dreg:$0x13] =	wrdreg s26  }
0x20: {  	s2 =	simm.s32 $0x180;
	s8 =	simm.s32 $0x3300;
	s19 =	simm.s32 $0x4  }
.LBB2_1:
0x21: {  	[dreg:$0x14] =	wrdreg s24  }
0x22: {  	s10 =	rddreg [dreg:$0x6]  }
0x23: {  	s26 =	rddreg [dreg:$0x7];
	s25 =	sshrl.u32 s10, $0x3  }
0x24: {  	[dreg:$0x15] =	wrdreg s25  }
0x25: {  	[spmem:s25], [sflag:s22] =	dma.local [hbm:s26], $0x2780  }
0x26: {  	_ =	swait.ge [sflag:s23], $0x2780  }
0x27: {  	[sflag:s23] =	ssyncset.done $0x0  }
0x28: {  	[sflag:s23] =	ssyncadd.s32 $0xFFFFD880  }
0x29: {  	[bflag:$0x0] =	sbarrier.arrive $0xFFFF  }
0x2a: {  	s24 =	rddreg [dreg:$0x9]  }
0x2b: {  	[tilespmem:s6], [sflag:$0x9] =	stream.linear.gather [hbm4b:s24+s6], $0x60, $0x38;
	[tilespmem:$0x1FC80] =	vst v63  }
0x2c: {  	_ =	swait.ge [sflag:s23], $0x60  }
0x2d: {  	[sflag:s23] =	ssyncset.done $0x0  }
0x2e: {  	s26 =	simm.s32 $0x100;
	s25 =	rddreg [dreg:$0xa];
	[sflag:s23] =	ssyncadd.s32 $0xFFFFFFA0  }
0x2f: {  	[tilespmem:s26], [sflag:$0x9] =	stream.linear.gather [hbm4b:s25+s6], $0x60, $0x38;
	[tilespmem:$0x1FC80] =	vst v63  }
0x30: {  	_ =	swait.ge [sflag:s23], $0x60  }
0x31: {  	[sflag:s23] =	ssyncset.done $0x0  }
0x32: {  	[sflag:s23] =	ssyncadd.s32 $0xFFFFFFA0  }
0x33: {  	[tilespmem:s29], [sflag:$0x3] =	stream.indirect.gather [hbm4b:s0+s28], $0x80, s6, s28, $0xb8;
	[tilespmem:$0x1FC80] =	vst v63  }
0x34: {  	s24 =	rddreg [dreg:$0xb]  }
0x35: {  	[tilespmem:s30], [sflag:$0x5] =	stream.linear.gather [hbm4b:s24+s6], $0x3000, $0x38;
	[tilespmem:$0x1FC80] =	vst v63  }
0x36: {  	s25 =	rddreg [dreg:$0xc]  }
0x37: {  	[tilespmem:s31], [sflag:$0x2] =	stream.linear.gather [hbm4b:s25+s6], $0x60, $0x38;
	[tilespmem:$0x1FC80] =	vst v63  }
0x38: {  	s10 =	simm.s32 $0x0;
	s26 =	rddreg [dreg:$0xd]  }
0x39: {  	[tilespmem:s2], [sflag:$0x2] =	stream.linear.gather [hbm4b:s26+s6], $0x60, $0x38;
	[tilespmem:$0x1FC80] =	vst v63  }
.LBB2_2:
0x3a: {  	p0 =	seq.s32 s10, $0x0  }
0x3b: {  	s22 =	simm.s32 @!p0 $0x8  }
0x3c: {  	_ =	swait.ge @!p0 [sflag:s22], $0x3000  }
0x3d: {  	[sflag:s22] =	ssyncset.done @!p0 $0x0  }
0x3e: {  	[sflag:s22] =	ssyncadd.s32 @!p0 $0xFFFFD000  }
0x3f: {  	_ =	swait.ge [sflag:s1], $0x60  }
0x40: {  	[sflag:s1] =	ssyncset.done $0x0  }
0x41: {  	s22 =	smul.u32 $0xC0, s10;
	[sflag:s1] =	ssyncadd.s32 $0xFFFFFFA0  }
0x42: {  	_ =	swait.ge [sflag:s1], $0x60  }
0x43: {  	s23 =	sadd.s32 s22, s12;
	[sflag:s1] =	ssyncset.done $0x0  }
0x44: {  	s23 =	sshll.u32 s23, $0x4;
	[sflag:s1] =	ssyncadd.s32 $0xFFFFFFA0  }
0x45: {  	[tilespmem:s8], [sflag:$0x4] =	stream.indirect.gather [hbm4b:s0+s28], $0x80, s31, s28, $0xb8;
	[tilespmem:$0x1FC80] =	vst v63  }
0x46: {  	s24 =	simm.s32 $0x0;
	s23 =	sadd.s32 s4, s23  }
0x47: {  	[tilespmem:s9], [sflag:$0x6] =	stream.linear.gather [hbm4b:s23+s24], $0x3000, $0x38;
	[tilespmem:$0x1FC80] =	vst v63  }
0x48: {  	_ =	swait.ge [sflag:s11], $0x3000  }
0x49: {  	[sflag:s11] =	ssyncset.done $0x0  }
0x4a: {  	[sflag:s11] =	ssyncadd.s32 $0xFFFFD000  }
0x4b: {  	_ =	swait.ge [sflag:s13], $0x3000  }
0x4c: {  	[sflag:s13] =	ssyncset.done $0x0  }
0x4d: {  	s23 =	simm.s32 $0x0;
	s24 =	simm.s32 $0x200;
	[sflag:s13] =	ssyncadd.s32 $0xFFFFD000  }
.LBB2_3:
0x4e: {  	p0 =	sne.s32 s24, $0xBE00;
	v0 =	vld [tilespmem:s23+$0x370]  }
0x4f: {  	v1 =	vld [tilespmem:s23+$0x300]  }
0x50: {  	v2 =	vld [tilespmem:s23+$0x310]  }
0x51: {  	v3 =	vld [tilespmem:s23+$0x320]  }
0x52: {  	v4 =	vld [tilespmem:s23+$0x330]  }
0x53: {  	[tilespmem:s23+$0x6370] =	vst.add.f32.msk $0xffff, v0  }
0x54: {  	v0 =	vld [tilespmem:s23+$0x340]  }
0x55: {  	v5 =	vld [tilespmem:s23+$0x350]  }
0x56: {  	v6 =	vld [tilespmem:s23+$0x360]  }
0x57: {  	[tilespmem:s23+$0x6300] =	vst.add.f32.msk $0xffff, v1  }
0x58: {  	[tilespmem:s23+$0x6310] =	vst.add.f32.msk $0xffff, v2  }
.Ltmp0:
0x59: {  	[tilespmem:s23+$0x6320] =	vst.add.f32.msk $0xffff, v3;
	(pc) =	sbr.rel @p0 .LBB2_3-.Ltmp0, $4  }
0x5a: {  	[tilespmem:s23+$0x6330] =	vst.add.f32.msk $0xffff, v4  }
0x5b: {  	[tilespmem:s23+$0x6340] =	vst.add.f32.msk $0xffff, v0  }
0x5c: {  	[tilespmem:s23+$0x6350] =	vst.add.f32.msk $0xffff, v5  }
0x5d: {  	[tilespmem:s23+$0x6360] =	vst.add.f32.msk $0xffff, v6;
	s23 =	sshra.s32 s24, $0x2;
	s24 =	sadd.s32 $0x200, s24  }
0x5e: {  	v0 =	vld [tilespmem:s23+$0x370]  }
0x5f: {  	v1 =	vld [tilespmem:s23+$0x300]  }
0x60: {  	v2 =	vld [tilespmem:s23+$0x310]  }
0x61: {  	v3 =	vld [tilespmem:s23+$0x320]  }
0x62: {  	v4 =	vld [tilespmem:s23+$0x330]  }
0x63: {  	v62 =	vld [tilespmem:s23+$0x340]  }
0x64: {  	v5 =	vld [tilespmem:s23+$0x350]  }
0x65: {  	v6 =	vld [tilespmem:s23+$0x360]  }
0x66: {  	[tilespmem:s23+$0x6370] =	vst.add.f32.msk $0xffff, v0  }
0x67: {  	[tilespmem:s23+$0x6300] =	vst.add.f32.msk $0xffff, v1  }
0x68: {  	[tilespmem:s23+$0x6310] =	vst.add.f32.msk $0xffff, v2  }
0x69: {  	[tilespmem:s23+$0x6320] =	vst.add.f32.msk $0xffff, v3  }
0x6a: {  	[tilespmem:s23+$0x6330] =	vst.add.f32.msk $0xffff, v4  }
0x6b: {  	[tilespmem:s23+$0x6340] =	vst.add.f32.msk $0xffff, v62  }
0x6c: {  	[tilespmem:s23+$0x6350] =	vst.add.f32.msk $0xffff, v5  }
0x6d: {  	[tilespmem:s23+$0x6360] =	vst.add.f32.msk $0xffff, v6  }
0x6e: {  	v0 =	vld [tilespmem:$0x100]  }
0x6f: {  	v1 =	vld [tilespmem:$0x110]  }
0x70: {  	v2 =	vld [tilespmem:$0x120]  }
0x71: {  	v3 =	vld [tilespmem:$0x130]  }
0x72: {  	v4 =	vld [tilespmem:$0x140]  }
0x73: {  	v63 =	vld [tilespmem:$0x150];
	[tilespmem:$0x200] =	vst v0  }
0x74: {  	[tilespmem:$0x210] =	vst v1  }
0x75: {  	[tilespmem:$0x220] =	vst v2  }
0x76: {  	[tilespmem:$0x230] =	vst v3  }
0x77: {  	s23 =	sadd.s32 s22, s17;
	[tilespmem:$0x240] =	vst v4  }
0x78: {  	s24 =	sshrl.u32 s23, $0x3;
	[tilespmem:$0x250] =	vst v63  }
0x79: {  	[spmem:s5] =	stream.indirect.scatter.add.f32 [tilespmem:s30], [sflag:$0x7], $0x80, s14, s28, $0xb8;
	[tilespmem:$0x1FC80] =	vst v63  }
0x7a: {  	s26 =	simm.s32 $0x0;
	s25 =	sadd.s32 s7, s24  }
0x7b: {  	[tilespmem:s26], [sflag:$0x1] =	stream.linear.gather [hbm4b:s25+s26], $0x60, $0x38;
	[tilespmem:$0x1FC80] =	vst v63  }
0x7c: {  	s24 =	sadd.s32 s3, s24;
	s25 =	simm.s32 $0x100  }
0x7d: {  	[tilespmem:s25], [sflag:$0x1] =	stream.linear.gather [hbm4b:s24+s26], $0x60, $0x38;
	[tilespmem:$0x1FC80] =	vst v63  }
0x7e: {  	_ =	swait.ge [sflag:s15], $0x3000  }
0x7f: {  	[sflag:s15] =	ssyncset.done $0x0  }
0x80: {  	[sflag:s15] =	ssyncadd.s32 $0xFFFFD000  }
0x81: {  	_ =	swait.ge [sflag:s16], $0x60  }
0x82: {  	[sflag:s16] =	ssyncset.done $0x0  }
0x83: {  	[sflag:s16] =	ssyncadd.s32 $0xFFFFFFA0  }
0x84: {  	_ =	swait.ge [sflag:s16], $0x60  }
0x85: {  	[sflag:s16] =	ssyncset.done $0x0  }
0x86: {  	s23 =	sshll.u32 s23, $0x4;
	[sflag:s16] =	ssyncadd.s32 $0xFFFFFFA0  }
0x87: {  	[tilespmem:s29], [sflag:$0x3] =	stream.indirect.gather [hbm4b:s0+s28], $0x80, s26, s28, $0xb8;
	[tilespmem:$0x1FC80] =	vst v63  }
0x88: {  	s23 =	sadd.s32 s4, s23  }
0x89: {  	[tilespmem:s30], [sflag:$0x5] =	stream.linear.gather [hbm4b:s23+s26], $0x3000, $0x38;
	[tilespmem:$0x1FC80] =	vst v63  }
0x8a: {  	_ =	swait.ge [sflag:s19], $0x3000  }
0x8b: {  	[sflag:s19] =	ssyncset.done $0x0  }
0x8c: {  	[sflag:s19] =	ssyncadd.s32 $0xFFFFD000  }
0x8d: {  	_ =	swait.ge [sflag:s20], $0x3000  }
0x8e: {  	[sflag:s20] =	ssyncset.done $0x0  }
0x8f: {  	s24 =	simm.s32 $0x200;
	s23 =	simm.s32 $0x0;
	[sflag:s20] =	ssyncadd.s32 $0xFFFFD000  }
.LBB2_5:
0x90: {  	p0 =	sne.s32 s24, $0xBE00;
	v0 =	vld [tilespmem:s23+$0x3370]  }
0x91: {  	v1 =	vld [tilespmem:s23+$0x3300]  }
0x92: {  	v2 =	vld [tilespmem:s23+$0x3310]  }
0x93: {  	v3 =	vld [tilespmem:s23+$0x3320]  }
0x94: {  	v4 =	vld [tilespmem:s23+$0x3330]  }
0x95: {  	[tilespmem:s23+$0x9370] =	vst.add.f32.msk $0xffff, v0  }
0x96: {  	v0 =	vld [tilespmem:s23+$0x3340]  }
0x97: {  	v5 =	vld [tilespmem:s23+$0x3350]  }
0x98: {  	v6 =	vld [tilespmem:s23+$0x3360]  }
0x99: {  	[tilespmem:s23+$0x9300] =	vst.add.f32.msk $0xffff, v1  }
0x9a: {  	[tilespmem:s23+$0x9310] =	vst.add.f32.msk $0xffff, v2  }
.Ltmp1:
0x9b: {  	[tilespmem:s23+$0x9320] =	vst.add.f32.msk $0xffff, v3;
	(pc) =	sbr.rel @p0 .LBB2_5-.Ltmp1, $4  }
0x9c: {  	[tilespmem:s23+$0x9330] =	vst.add.f32.msk $0xffff, v4  }
0x9d: {  	[tilespmem:s23+$0x9340] =	vst.add.f32.msk $0xffff, v0  }
0x9e: {  	[tilespmem:s23+$0x9350] =	vst.add.f32.msk $0xffff, v5  }
0x9f: {  	[tilespmem:s23+$0x9360] =	vst.add.f32.msk $0xffff, v6;
	s23 =	sshra.s32 s24, $0x2;
	s24 =	sadd.s32 $0x200, s24  }
0xa0: {  	v0 =	vld [tilespmem:s23+$0x3370]  }
0xa1: {  	v1 =	vld [tilespmem:s23+$0x3300]  }
0xa2: {  	v2 =	vld [tilespmem:s23+$0x3310]  }
0xa3: {  	v3 =	vld [tilespmem:s23+$0x3320]  }
0xa4: {  	v4 =	vld [tilespmem:s23+$0x3330]  }
0xa5: {  	v62 =	vld [tilespmem:s23+$0x3340]  }
0xa6: {  	v5 =	vld [tilespmem:s23+$0x3350]  }
0xa7: {  	v6 =	vld [tilespmem:s23+$0x3360]  }
0xa8: {  	[tilespmem:s23+$0x9370] =	vst.add.f32.msk $0xffff, v0  }
0xa9: {  	[tilespmem:s23+$0x9300] =	vst.add.f32.msk $0xffff, v1  }
0xaa: {  	[tilespmem:s23+$0x9310] =	vst.add.f32.msk $0xffff, v2  }
0xab: {  	[tilespmem:s23+$0x9320] =	vst.add.f32.msk $0xffff, v3  }
0xac: {  	[tilespmem:s23+$0x9330] =	vst.add.f32.msk $0xffff, v4  }
0xad: {  	[tilespmem:s23+$0x9340] =	vst.add.f32.msk $0xffff, v62  }
0xae: {  	[tilespmem:s23+$0x9350] =	vst.add.f32.msk $0xffff, v5  }
0xaf: {  	[tilespmem:s23+$0x9360] =	vst.add.f32.msk $0xffff, v6  }
0xb0: {  	v0 =	vld [tilespmem:$0x180]  }
0xb1: {  	v1 =	vld [tilespmem:$0x190]  }
0xb2: {  	v2 =	vld [tilespmem:$0x1A0]  }
0xb3: {  	v3 =	vld [tilespmem:$0x1B0]  }
0xb4: {  	v4 =	vld [tilespmem:$0x1C0]  }
0xb5: {  	v63 =	vld [tilespmem:$0x1D0];
	[tilespmem:$0x280] =	vst v0  }
0xb6: {  	[tilespmem:$0x290] =	vst v1  }
0xb7: {  	[tilespmem:$0x2A0] =	vst v2  }
0xb8: {  	[tilespmem:$0x2B0] =	vst v3  }
0xb9: {  	s10 =	sadd.s32 $0x1, s10;
	[tilespmem:$0x2C0] =	vst v4  }
0xba: {  	s22 =	sadd.s32 s22, s18;
	p0 =	sne.s32 s10, $0x33;
	[tilespmem:$0x2D0] =	vst v63  }
0xbb: {  	[spmem:s5] =	stream.indirect.scatter.add.f32 [tilespmem:s9], [sflag:$0x8], $0x80, s21, s28, $0xb8;
	[tilespmem:$0x1FC80] =	vst v63  }
.Ltmp2:
0xbc: {  	s22 =	sshrl.u32 s22, $0x3;
	(pc) =	sbr.rel @p0 .LBB2_2-.Ltmp2, $4  }
0xbd: {  	s26 =	sadd.s32 s7, s22  }
0xbe: {  	[tilespmem:s31], [sflag:$0x2] =	stream.linear.gather [hbm4b:s26+s6], $0x60, $0x38;
	[tilespmem:$0x1FC80] =	vst v63  }
0xbf: {  	s22 =	sadd.s32 s3, s22  }
0xc0: {  	[tilespmem:s2], [sflag:$0x2] =	stream.linear.gather [hbm4b:s22+s6], $0x60, $0x38;
	[tilespmem:$0x1FC80] =	vst v63  }
0xc1: {  	s24 =	simm.s32 $0x8  }
0xc2: {  	_ =	swait.ge [sflag:s24], $0x3000  }
0xc3: {  	[sflag:s24] =	ssyncset.done $0x0  }
0xc4: {  	[sflag:s24] =	ssyncadd.s32 $0xFFFFD000  }
0xc5: {  	_ =	swait.ge [sflag:s1], $0x60  }
0xc6: {  	[sflag:s1] =	ssyncset.done $0x0  }
0xc7: {  	[sflag:s1] =	ssyncadd.s32 $0xFFFFFFA0  }
0xc8: {  	_ =	swait.ge [sflag:s1], $0x60  }
0xc9: {  	[sflag:s1] =	ssyncset.done $0x0  }
0xca: {  	[sflag:s1] =	ssyncadd.s32 $0xFFFFFFA0  }
0xcb: {  	[tilespmem:s8], [sflag:$0x4] =	stream.indirect.gather [hbm4b:s0+s28], $0x80, s31, s28, $0xb8;
	[tilespmem:$0x1FC80] =	vst v63  }
0xcc: {  	s10 =	simm.s32 $0x0;
	s22 =	rddreg [dreg:$0xe]  }
0xcd: {  	[tilespmem:s9], [sflag:$0x6] =	stream.linear.gather [hbm4b:s22+s10], $0x3000, $0x38;
	[tilespmem:$0x1FC80] =	vst v63  }
0xce: {  	_ =	swait.ge [sflag:s11], $0x3000  }
0xcf: {  	[sflag:s11] =	ssyncset.done $0x0  }
0xd0: {  	[sflag:s11] =	ssyncadd.s32 $0xFFFFD000  }
0xd1: {  	_ =	swait.ge [sflag:s13], $0x3000  }
0xd2: {  	[sflag:s13] =	ssyncset.done $0x0  }
0xd3: {  	s10 =	simm.s32 $0x0;
	s22 =	simm.s32 $0x200;
	[sflag:s13] =	ssyncadd.s32 $0xFFFFD000  }
.LBB2_8:
0xd4: {  	p0 =	sne.s32 s22, $0xBE00;
	v0 =	vld [tilespmem:s10+$0x370]  }
0xd5: {  	v1 =	vld [tilespmem:s10+$0x300]  }
0xd6: {  	v2 =	vld [tilespmem:s10+$0x310]  }
0xd7: {  	v3 =	vld [tilespmem:s10+$0x320]  }
0xd8: {  	v4 =	vld [tilespmem:s10+$0x330]  }
0xd9: {  	[tilespmem:s10+$0x6370] =	vst.add.f32.msk $0xffff, v0  }
0xda: {  	v0 =	vld [tilespmem:s10+$0x340]  }
0xdb: {  	v5 =	vld [tilespmem:s10+$0x350]  }
0xdc: {  	v6 =	vld [tilespmem:s10+$0x360]  }
0xdd: {  	[tilespmem:s10+$0x6300] =	vst.add.f32.msk $0xffff, v1  }
0xde: {  	[tilespmem:s10+$0x6310] =	vst.add.f32.msk $0xffff, v2  }
.Ltmp3:
0xdf: {  	[tilespmem:s10+$0x6320] =	vst.add.f32.msk $0xffff, v3;
	(pc) =	sbr.rel @p0 .LBB2_8-.Ltmp3, $4  }
0xe0: {  	[tilespmem:s10+$0x6330] =	vst.add.f32.msk $0xffff, v4  }
0xe1: {  	[tilespmem:s10+$0x6340] =	vst.add.f32.msk $0xffff, v0  }
0xe2: {  	[tilespmem:s10+$0x6350] =	vst.add.f32.msk $0xffff, v5  }
0xe3: {  	[tilespmem:s10+$0x6360] =	vst.add.f32.msk $0xffff, v6;
	s10 =	sshra.s32 s22, $0x2;
	s22 =	sadd.s32 $0x200, s22  }
0xe4: {  	v0 =	vld [tilespmem:s10+$0x370]  }
0xe5: {  	v1 =	vld [tilespmem:s10+$0x300]  }
0xe6: {  	v2 =	vld [tilespmem:s10+$0x310]  }
0xe7: {  	v3 =	vld [tilespmem:s10+$0x320]  }
0xe8: {  	v4 =	vld [tilespmem:s10+$0x330]  }
0xe9: {  	v62 =	vld [tilespmem:s10+$0x340]  }
0xea: {  	v5 =	vld [tilespmem:s10+$0x350]  }
0xeb: {  	v6 =	vld [tilespmem:s10+$0x360]  }
0xec: {  	[tilespmem:s10+$0x6370] =	vst.add.f32.msk $0xffff, v0  }
0xed: {  	[tilespmem:s10+$0x6300] =	vst.add.f32.msk $0xffff, v1  }
0xee: {  	[tilespmem:s10+$0x6310] =	vst.add.f32.msk $0xffff, v2  }
0xef: {  	[tilespmem:s10+$0x6320] =	vst.add.f32.msk $0xffff, v3  }
0xf0: {  	[tilespmem:s10+$0x6330] =	vst.add.f32.msk $0xffff, v4  }
0xf1: {  	[tilespmem:s10+$0x6340] =	vst.add.f32.msk $0xffff, v62  }
0xf2: {  	[tilespmem:s10+$0x6350] =	vst.add.f32.msk $0xffff, v5  }
0xf3: {  	[tilespmem:s10+$0x6360] =	vst.add.f32.msk $0xffff, v6  }
0xf4: {  	v0 =	vld [tilespmem:$0x100]  }
0xf5: {  	v1 =	vld [tilespmem:$0x110]  }
0xf6: {  	v2 =	vld [tilespmem:$0x120]  }
0xf7: {  	v3 =	vld [tilespmem:$0x130]  }
0xf8: {  	v4 =	vld [tilespmem:$0x140]  }
0xf9: {  	v63 =	vld [tilespmem:$0x150];
	[tilespmem:$0x200] =	vst v0  }
0xfa: {  	[tilespmem:$0x210] =	vst v1  }
0xfb: {  	[tilespmem:$0x220] =	vst v2  }
0xfc: {  	[tilespmem:$0x230] =	vst v3  }
0xfd: {  	[tilespmem:$0x240] =	vst v4  }
0xfe: {  	[tilespmem:$0x250] =	vst v63  }
0xff: {  	[spmem:s5] =	stream.indirect.scatter.add.f32 [tilespmem:s30], [sflag:$0x7], $0x80, s14, s28, $0xb8;
	[tilespmem:$0x1FC80] =	vst v63  }
0x100: {  	_ =	swait.ge [sflag:s19], $0x3000  }
0x101: {  	[sflag:s19] =	ssyncset.done $0x0  }
0x102: {  	[sflag:s19] =	ssyncadd.s32 $0xFFFFD000  }
0x103: {  	_ =	swait.ge [sflag:s20], $0x3000  }
0x104: {  	s22 =	simm.s32 $0x200;
	[sflag:s20] =	ssyncset.done $0x0  }
0x105: {  	s23 =	simm.s32 $0x9;
	s10 =	simm.s32 $0x0;
	[sflag:s20] =	ssyncadd.s32 $0xFFFFD000  }
.LBB2_10:
0x106: {  	p0 =	sne.s32 s22, $0xBE00;
	v0 =	vld [tilespmem:s10+$0x3370]  }
0x107: {  	v1 =	vld [tilespmem:s10+$0x3300]  }
0x108: {  	v2 =	vld [tilespmem:s10+$0x3310]  }
0x109: {  	v3 =	vld [tilespmem:s10+$0x3320]  }
0x10a: {  	v4 =	vld [tilespmem:s10+$0x3330]  }
0x10b: {  	[tilespmem:s10+$0x9370] =	vst.add.f32.msk $0xffff, v0  }
0x10c: {  	v0 =	vld [tilespmem:s10+$0x3340]  }
0x10d: {  	v5 =	vld [tilespmem:s10+$0x3350]  }
0x10e: {  	v6 =	vld [tilespmem:s10+$0x3360]  }
0x10f: {  	[tilespmem:s10+$0x9300] =	vst.add.f32.msk $0xffff, v1  }
0x110: {  	[tilespmem:s10+$0x9310] =	vst.add.f32.msk $0xffff, v2  }
.Ltmp4:
0x111: {  	[tilespmem:s10+$0x9320] =	vst.add.f32.msk $0xffff, v3;
	(pc) =	sbr.rel @p0 .LBB2_10-.Ltmp4, $4  }
0x112: {  	[tilespmem:s10+$0x9330] =	vst.add.f32.msk $0xffff, v4  }
0x113: {  	[tilespmem:s10+$0x9340] =	vst.add.f32.msk $0xffff, v0  }
0x114: {  	[tilespmem:s10+$0x9350] =	vst.add.f32.msk $0xffff, v5  }
0x115: {  	[tilespmem:s10+$0x9360] =	vst.add.f32.msk $0xffff, v6;
	s10 =	sshra.s32 s22, $0x2;
	s22 =	sadd.s32 $0x200, s22  }
0x116: {  	v0 =	vld [tilespmem:s10+$0x3370]  }
0x117: {  	v1 =	vld [tilespmem:s10+$0x3300]  }
0x118: {  	v2 =	vld [tilespmem:s10+$0x3310]  }
0x119: {  	v3 =	vld [tilespmem:s10+$0x3320]  }
0x11a: {  	v4 =	vld [tilespmem:s10+$0x3330]  }
0x11b: {  	v62 =	vld [tilespmem:s10+$0x3340]  }
0x11c: {  	v5 =	vld [tilespmem:s10+$0x3350]  }
0x11d: {  	v6 =	vld [tilespmem:s10+$0x3360]  }
0x11e: {  	[tilespmem:s10+$0x9370] =	vst.add.f32.msk $0xffff, v0  }
0x11f: {  	[tilespmem:s10+$0x9300] =	vst.add.f32.msk $0xffff, v1  }
0x120: {  	[tilespmem:s10+$0x9310] =	vst.add.f32.msk $0xffff, v2  }
0x121: {  	[tilespmem:s10+$0x9320] =	vst.add.f32.msk $0xffff, v3  }
0x122: {  	[tilespmem:s10+$0x9330] =	vst.add.f32.msk $0xffff, v4  }
0x123: {  	[tilespmem:s10+$0x9340] =	vst.add.f32.msk $0xffff, v62  }
0x124: {  	[tilespmem:s10+$0x9350] =	vst.add.f32.msk $0xffff, v5  }
0x125: {  	[tilespmem:s10+$0x9360] =	vst.add.f32.msk $0xffff, v6  }
0x126: {  	v0 =	vld [tilespmem:$0x180]  }
0x127: {  	v1 =	vld [tilespmem:$0x190]  }
0x128: {  	v2 =	vld [tilespmem:$0x1A0]  }
0x129: {  	v3 =	vld [tilespmem:$0x1B0]  }
0x12a: {  	v4 =	vld [tilespmem:$0x1C0]  }
0x12b: {  	v63 =	vld [tilespmem:$0x1D0];
	[tilespmem:$0x280] =	vst v0  }
0x12c: {  	[tilespmem:$0x290] =	vst v1  }
0x12d: {  	[tilespmem:$0x2A0] =	vst v2  }
0x12e: {  	[tilespmem:$0x2B0] =	vst v3  }
0x12f: {  	[tilespmem:$0x2C0] =	vst v4  }
0x130: {  	[tilespmem:$0x2D0] =	vst v63  }
0x131: {  	[spmem:s5] =	stream.indirect.scatter.add.f32 [tilespmem:s9], [sflag:$0x8], $0x80, s21, s28, $0xb8;
	[tilespmem:$0x1FC80] =	vst v63  }
0x132: {  	_ =	swait.ge [sflag:s15], $0x3000  }
0x133: {  	s25 =	simm.s32 $0xC300;
	[sflag:s15] =	ssyncset.done $0x0  }
0x134: {  	s10 =	simm.s32 $0x0;
	s22 =	rddreg [dreg:$0xf];
	[sflag:s15] =	ssyncadd.s32 $0xFFFFD000  }
0x135: {  	[tilespmem:s25], [sflag:$0x9] =	stream.linear.gather [hbm4b:s22+s10], $0x10, $0x38;
	[tilespmem:$0x1FC80] =	vst v63  }
0x136: {  	_ =	swait.ge [sflag:s23], $0x10  }
0x137: {  	[sflag:s23] =	ssyncset.done $0x0  }
0x138: {  	s26 =	simm.s32 $0xC380;
	s22 =	rddreg [dreg:$0x10];
	[sflag:s23] =	ssyncadd.s32 $0xFFFFFFF0  }
0x139: {  	[tilespmem:s26], [sflag:$0x9] =	stream.linear.gather [hbm4b:s22+s10], $0x10, $0x38;
	[tilespmem:$0x1FC80] =	vst v63  }
0x13a: {  	_ =	swait.ge [sflag:s23], $0x10  }
0x13b: {  	[sflag:s23] =	ssyncset.done $0x0  }
0x13c: {  	s26 =	simm.s32 $0x10;
	[sflag:s23] =	ssyncadd.s32 $0xFFFFFFF0  }
0x13d: {  	[tilespmem:s29], [sflag:$0x3] =	stream.indirect.gather [hbm4b:s0+s26], $0x80, s25, s26, $0xb8;
	[tilespmem:$0x1FC80] =	vst v63  }
0x13e: {  	s26 =	rddreg [dreg:$0x11]  }
0x13f: {  	[tilespmem:s30], [sflag:$0x5] =	stream.linear.gather [hbm4b:s26+s10], $0x800, $0x38;
	[tilespmem:$0x1FC80] =	vst v63  }
0x140: {  	_ =	swait.ge [sflag:s11], $0x800  }
0x141: {  	[sflag:s11] =	ssyncset.done $0x0  }
0x142: {  	[sflag:s11] =	ssyncadd.s32 $0xFFFFF800  }
0x143: {  	_ =	swait.ge [sflag:s13], $0x800  }
0x144: {  	[sflag:s13] =	ssyncset.done $0x0  }
0x145: {  	s22 =	simm.s32 $0x200;
	s10 =	simm.s32 $0x0;
	[sflag:s13] =	ssyncadd.s32 $0xFFFFF800  }
.LBB2_12:
0x146: {  	p0 =	sne.s32 s22, $0x1E00;
	v0 =	vld [tilespmem:s10+$0x370]  }
0x147: {  	v1 =	vld [tilespmem:s10+$0x300]  }
0x148: {  	v2 =	vld [tilespmem:s10+$0x310]  }
0x149: {  	v3 =	vld [tilespmem:s10+$0x320]  }
0x14a: {  	v4 =	vld [tilespmem:s10+$0x330]  }
0x14b: {  	[tilespmem:s10+$0x6370] =	vst.add.f32.msk $0xffff, v0  }
0x14c: {  	v0 =	vld [tilespmem:s10+$0x340]  }
0x14d: {  	v5 =	vld [tilespmem:s10+$0x350]  }
0x14e: {  	v6 =	vld [tilespmem:s10+$0x360]  }
0x14f: {  	[tilespmem:s10+$0x6300] =	vst.add.f32.msk $0xffff, v1  }
0x150: {  	[tilespmem:s10+$0x6310] =	vst.add.f32.msk $0xffff, v2  }
.Ltmp5:
0x151: {  	[tilespmem:s10+$0x6320] =	vst.add.f32.msk $0xffff, v3;
	(pc) =	sbr.rel @p0 .LBB2_12-.Ltmp5, $4  }
0x152: {  	[tilespmem:s10+$0x6330] =	vst.add.f32.msk $0xffff, v4  }
0x153: {  	[tilespmem:s10+$0x6340] =	vst.add.f32.msk $0xffff, v0  }
0x154: {  	[tilespmem:s10+$0x6350] =	vst.add.f32.msk $0xffff, v5  }
0x155: {  	[tilespmem:s10+$0x6360] =	vst.add.f32.msk $0xffff, v6;
	s10 =	sshra.s32 s22, $0x2;
	s22 =	sadd.s32 $0x200, s22  }
0x156: {  	v0 =	vld [tilespmem:s10+$0x370]  }
0x157: {  	v1 =	vld [tilespmem:s10+$0x300]  }
0x158: {  	v2 =	vld [tilespmem:s10+$0x310]  }
0x159: {  	v3 =	vld [tilespmem:s10+$0x320]  }
0x15a: {  	v4 =	vld [tilespmem:s10+$0x330]  }
0x15b: {  	v63 =	vld [tilespmem:s10+$0x340]  }
0x15c: {  	v5 =	vld [tilespmem:s10+$0x350]  }
0x15d: {  	v6 =	vld [tilespmem:s10+$0x360]  }
0x15e: {  	[tilespmem:s10+$0x6370] =	vst.add.f32.msk $0xffff, v0  }
0x15f: {  	[tilespmem:s10+$0x6300] =	vst.add.f32.msk $0xffff, v1  }
0x160: {  	[tilespmem:s10+$0x6310] =	vst.add.f32.msk $0xffff, v2  }
0x161: {  	[tilespmem:s10+$0x6320] =	vst.add.f32.msk $0xffff, v3  }
0x162: {  	[tilespmem:s10+$0x6330] =	vst.add.f32.msk $0xffff, v4  }
0x163: {  	[tilespmem:s10+$0x6340] =	vst.add.f32.msk $0xffff, v63  }
0x164: {  	[tilespmem:s10+$0x6350] =	vst.add.f32.msk $0xffff, v5  }
0x165: {  	s26 =	simm.s32 $0xC380;
	s22 =	simm.s32 $0x10;
	[tilespmem:s10+$0x6360] =	vst.add.f32.msk $0xffff, v6  }
0x166: {  	[spmem:s5] =	stream.indirect.scatter.add.f32 [tilespmem:s30], [sflag:$0x9], $0x80, s26, s22, $0xb8;
	[tilespmem:$0x1FC80] =	vst v63  }
0x167: {  	_ =	swait.ge [sflag:s23], $0x800  }
0x168: {  	[sflag:s23] =	ssyncset.done $0x0  }
0x169: {  	[sflag:s23] =	ssyncadd.s32 $0xFFFFF800  }
0x16a: {  	_ =	swait.ge [sflag:s24], $0x3000  }
0x16b: {  	[sflag:s24] =	ssyncset.done $0x0  }
0x16c: {  	[sflag:s24] =	ssyncadd.s32 $0xFFFFD000  }
0x16d: {  	[bflag:$0x0] =	sbarrier.arrive $0xFFFF  }
0x16e: {  	s22 =	rddreg [dreg:$0x8]  }
0x16f: {  	s25 =	rddreg [dreg:$0x12]  }
0x170: {  	s26 =	rddreg [dreg:$0x15]  }
0x171: {  	[hbm:s25], [sflag:s22] =	dma.local [spmem:s26], $0x2780  }
0x172: {  	_ =	swait.ge [sflag:s23], $0x2780  }
0x173: {  	s25 =	rddreg [dreg:$0x14]  }
0x174: {  	s26 =	rddreg [dreg:$0x13];
	s24 =	sadd.s32 $0x1, s25  }
0x175: {  	p0 =	sne.s32 s24, s26  }
.Ltmp6:
0x176: {  	_ = 	snop;
	(pc) =	sbr.rel @p0 .LBB2_1-.Ltmp6, $3  }
0x177: {  	_ =	sdelay $0x1  }
0x178: {  	[sflag:s23] =	ssyncset.done $0x0  }
0x179: {  	[sflag:s23] =	ssyncadd.s32 $0xFFFFD880  }
0x17a: {  	_ =	sfence.sel $0x180000  }
0x17b: {  	[bflag:$0x0] =	sbarrier.arrive $0xFFFF  }
0x17c: {  	_ =	strace $0x90000047  }
0x17d: {  	s0 =	stileid.u32;
	[bflag:$0x2] =	sbarrier.arrive $0xFFFF  }
0x17e: {  	p0 =	sne.s32 s0, $0x0;
	s0 =	rddreg [dreg:$0x5]  }
0x17f: {  	s0 =	sadd.s32 @!p0 $0x100000, s0  }
0x180: {  	[sflag:s0] =	ssyncadd.tile.s32 @!p0 $0x1;
	_ =	shalt  }
.Lfunc_end2:
_tile_overlayer_lowered:
.L_overlay_start_2:
0x181: {  	(tag) =	ssettag $0x2  }
0x182: {  	s0 =	rddreg [dreg:$0x0];
	s2 =	stileid.u32  }
0x183: {  	s1 =	rddreg [dreg:$0x1];
	p0 =	sne.s32 s2, $0x0  }
0x184: {  	s3 =	rddreg [dreg:$0x2];
	[bflag:$0x3] =	sbarrier.arrive $0xFFFF;
	s2 =	simm.s32 @!p0 $0x1C09  }
0x185: {  	[timem:s3], [sflag:s2] =	dma.local @!p0 [hbm:s0], s1  }
0x186: {  	s0 =	simm.s32 @!p0 $0x9  }
0x187: {  	_ =	swait.ge @!p0 [sflag:s0], s1  }
0x188: {  	s1 =	ssub.s32 @!p0 $0x0, s1;
	[sflag:s0] =	ssyncset.done @!p0 $0x0  }
0x189: {  	[sflag:s0] =	ssyncadd.s32 @!p0 s1  }
0x18a: {  	[bflag:$0x3] =	sbarrier.arrive $0xFFFF  }
0x18b: {  	_ =	shalt  }

</sc_bundles>
